<compile_context>
chip_gen: v7x
topology: tpu7x:2x2x1
jax: 0.10.2.dev20260603
libtpu: 0.0.44.dev20260713+nightly
codegen_flags: <defaults>
</compile_context>

<pallas_src>
import functools
import math

import jax
import jax.numpy as jnp
from jax import lax
from jax.experimental import pallas as pl
from jax.experimental.pallas import tpu as pltpu
from jax.experimental.pallas import tpu_sc as plsc

NC, NS, L = 2, 16, 16
NW = NC * NS
IDXW = 128

_A_COEF = tuple((-1.0) ** i / math.factorial(2 * i + 1) for i in range(11))
_B_COEF = tuple((-1.0) ** i / math.factorial(2 * i + 2) for i in range(11))
_C_COEF = tuple((-1.0) ** i / math.factorial(2 * i + 3) for i in range(11))


def _horner(coefs, x2):
    acc = jnp.full((L,), coefs[-1], jnp.float32)
    for c in reversed(coefs[:-1]):
        acc = acc * x2 + jnp.full((L,), c, jnp.float32)
    return acc


@functools.lru_cache(maxsize=None)
def _make_sc_kernel(n, b):
    b_per_w = b // NW
    n_sub = b_per_w // IDXW
    n_chunk = b_per_w // L
    mesh = plsc.VectorSubcoreMesh(core_axis_name="c", subcore_axis_name="s")

    @functools.partial(
        pl.kernel,
        out_type=jax.ShapeDtypeStruct((b * 12,), jnp.float32),
        mesh=mesh,
        scratch_types=[
            pltpu.VMEM((n_sub, IDXW), jnp.int32),
            pltpu.VMEM((n_sub, IDXW), jnp.int32),
            pltpu.VMEM((b_per_w, 8), jnp.float32),
            pltpu.VMEM((b_per_w, 16), jnp.float32),
            pltpu.VMEM((b_per_w * 12,), jnp.float32),
            pltpu.SemaphoreType.DMA,
            pltpu.SemaphoreType.DMA,
            pltpu.SemaphoreType.DMA,
        ],
        compiler_params=pltpu.CompilerParams(
            needs_layout_passes=False, use_tc_tiling_on_sc=False),
    )
    def sc(lw_hbm, kfp_hbm, map_hbm, idx_hbm, out_hbm,
           idx_v, kfi_v, wu_v, kf_v, out_v, sem_w, sem_m, sem_k):
        wid = lax.axis_index("s") * NC + lax.axis_index("c")
        base = wid * b_per_w
        pltpu.sync_copy(idx_hbm.at[pl.ds(wid * n_sub, n_sub)], idx_v)

        cps_w, cps_m = [], []
        for j in range(n_sub):
            cps_w.append(pltpu.async_copy(
                lw_hbm.at[idx_v.at[j]], wu_v.at[pl.ds(j * IDXW, IDXW)], sem_w))
            cps_m.append(pltpu.async_copy(
                map_hbm.at[idx_v.at[j]], kfi_v.at[j], sem_m))
        for c in cps_m:
            c.wait()
        cps_k = []
        for j in range(n_sub):
            cps_k.append(pltpu.async_copy(
                kfp_hbm.at[kfi_v.at[j]], kf_v.at[pl.ds(j * IDXW, IDXW)], sem_k))
        for c in cps_w:
            c.wait()
        for c in cps_k:
            c.wait()

        iota = lax.iota(jnp.int32, L)
        one = jnp.full((L,), 1.0, jnp.float32)

        def body(i, carry):
            rows = iota + i * L

            def wcol(c):
                return plsc.load_gather(
                    wu_v, [rows, jnp.full((L,), c, jnp.int32)])

            w0, w1, w2 = wcol(0), wcol(1), wcol(2)
            u0, u1, u2 = wcol(3), wcol(4), wcol(5)
            t2 = w0 * w0 + w1 * w1 + w2 * w2
            A = _horner(_A_COEF, t2)
            Bc = _horner(_B_COEF, t2)
            C = _horner(_C_COEF, t2)
            w00, w11, w22 = w0 * w0, w1 * w1, w2 * w2
            w01, w02, w12 = w0 * w1, w0 * w2, w1 * w2
            r00 = one + Bc * (w00 - t2)
            r01 = Bc * w01 - A * w2
            r02 = Bc * w02 + A * w1
            r10 = Bc * w01 + A * w2
            r11 = one + Bc * (w11 - t2)
            r12 = Bc * w12 - A * w0
            r20 = Bc * w02 - A * w1
            r21 = Bc * w12 + A * w0
            r22 = one + Bc * (w22 - t2)
            v00 = one + C * (w00 - t2)
            v01 = C * w01 - Bc * w2
            v02 = C * w02 + Bc * w1
            v10 = C * w01 + Bc * w2
            v11 = one + C * (w11 - t2)
            v12 = C * w12 - Bc * w0
            v20 = C * w02 - Bc * w1
            v21 = C * w12 + Bc * w0
            v22 = one + C * (w22 - t2)
            ta0 = v00 * u0 + v01 * u1 + v02 * u2
            ta1 = v10 * u0 + v11 * u1 + v12 * u2
            ta2 = v20 * u0 + v21 * u1 + v22 * u2

            def kcol(c):
                return plsc.load_gather(
                    kf_v, [rows, jnp.full((L,), c, jnp.int32)])

            b00, b01, b02, tb0 = kcol(0), kcol(1), kcol(2), kcol(3)
            b10, b11, b12, tb1 = kcol(4), kcol(5), kcol(6), kcol(7)
            b20, b21, b22, tb2 = kcol(8), kcol(9), kcol(10), kcol(11)

            outs = (
                b00 * r00 + b01 * r10 + b02 * r20,
                b00 * r01 + b01 * r11 + b02 * r21,
                b00 * r02 + b01 * r12 + b02 * r22,
                b00 * ta0 + b01 * ta1 + b02 * ta2 + tb0,
                b10 * r00 + b11 * r10 + b12 * r20,
                b10 * r01 + b11 * r11 + b12 * r21,
                b10 * r02 + b11 * r12 + b12 * r22,
                b10 * ta0 + b11 * ta1 + b12 * ta2 + tb1,
                b20 * r00 + b21 * r10 + b22 * r20,
                b20 * r01 + b21 * r11 + b22 * r21,
                b20 * r02 + b21 * r12 + b22 * r22,
                b20 * ta0 + b21 * ta1 + b22 * ta2 + tb2,
            )
            flat = rows * 12
            for c, val in enumerate(outs):
                plsc.store_scatter(out_v, [flat + c], val)
            return carry

        lax.fori_loop(0, n_chunk, body, 0)
        pltpu.sync_copy(out_v, out_hbm.at[pl.ds(base * 12, b_per_w * 12)])

    return sc


def kernel(local_weight, keyframe_poses, keyframe_map, idx):
    n = local_weight.shape[0]
    b = idx.shape[0]
    lw8 = jnp.pad(local_weight, ((0, 0), (0, 2)))
    kf16 = jnp.pad(keyframe_poses.reshape(n, 12), ((0, 0), (0, 4)))
    idx2 = idx.reshape(b // IDXW, IDXW)
    out = _make_sc_kernel(n, b)(lw8, kf16, keyframe_map, idx2)
    return out.reshape(b, 3, 4)

# --- scband reference (transcript-rebuilt; emitter-appended) ---
"""Pipeline reference for scband-pose-76879914598874 (READ-ONLY COPY).

The authoritative reference and input builder live on the scoring server;
editing this copy changes nothing except your own understanding.
"""

import jax, jax.numpy as jnp
import numpy as np

N = 100000
B = 16384

def skew(w):
    z = jnp.zeros_like(w[..., 0])
    return jnp.stack([
        jnp.stack([z, -w[..., 2], w[..., 1]], axis=-1),
        jnp.stack([w[..., 2], z, -w[..., 0]], axis=-1),
        jnp.stack([-w[..., 1], w[..., 0], z], axis=-1),
    ], axis=-2)

def taylor_A(x, nth=10):
    ans = jnp.zeros_like(x)
    denom = 1.0
    for i in range(nth + 1):
        if i > 0:
            denom *= (2 * i) * (2 * i + 1)
        ans = ans + ((-1) ** i) * x ** (2 * i) / denom
    return ans

def taylor_B(x, nth=10):
    ans = jnp.zeros_like(x)
    denom = 1.0
    for i in range(nth + 1):
        denom *= (2 * i + 1) * (2 * i + 2)
        ans = ans + ((-1) ** i) * x ** (2 * i) / denom
    return ans

def taylor_C(x, nth=10):
    ans = jnp.zeros_like(x)
    denom = 1.0
    for i in range(nth + 1):
        denom *= (2 * i + 2) * (2 * i + 3)
        ans = ans + ((-1) ** i) * x ** (2 * i) / denom
    return ans

def se3_to_SE3(wu):
    w, u = wu[..., :3], wu[..., 3:]
    wx = skew(w)
    theta = jnp.linalg.norm(w, axis=-1)[..., None, None]
    I = jnp.eye(3, dtype=wu.dtype)
    A = taylor_A(theta)
    Bc = taylor_B(theta)
    C = taylor_C(theta)
    wxwx = wx @ wx
    R = I + A * wx + Bc * wxwx
    V = I + Bc * wx + C * wxwx
    return jnp.concatenate([R, V @ u[..., None]], axis=-1)

def compose_pair(pose_a, pose_b):
    R_a, t_a = pose_a[..., :3], pose_a[..., 3:]
    R_b, t_b = pose_b[..., :3], pose_b[..., 3:]
    R_new = R_b @ R_a
    t_new = R_b @ t_a + t_b
    return jnp.concatenate([R_new, t_new], axis=-1)

def setup_inputs(seed: int = 0):
    key = jax.random.key(seed)
    k1, k2, k3, k4 = jax.random.split(key, 4)
    local_weight = jax.random.normal(k1, (N, 6), dtype=jnp.float32) * 0.1
    keyframe_poses = jnp.tile(jnp.eye(3, 4, dtype=jnp.float32), (N, 1, 1)) \
        + jax.random.normal(k2, (N, 3, 4), dtype=jnp.float32) * 0.01
    keyframe_map = jax.random.randint(k3, (N,), 0, N, dtype=jnp.int32)
    idx = jax.random.randint(k4, (B,), 0, N, dtype=jnp.int32)
    return {"local_weight": local_weight, "keyframe_poses": keyframe_poses,
            "keyframe_map": keyframe_map, "idx": idx}

def reference(local_weight, keyframe_poses, keyframe_map, idx):
    # Pose.get(idx): embedding gather -> se3 exp map -> keyframe gather -> compose
    local_pose = se3_to_SE3(jnp.take(local_weight, idx, axis=0))
    kf_idx = jnp.take(keyframe_map, idx, axis=0)
    keyframe_pose = jnp.take(keyframe_poses, kf_idx, axis=0)
    global_pose = compose_pair(local_pose, keyframe_pose)
    return global_pose

if __name__ == "__main__":
    import jax
    _d = setup_inputs()
    print(jax.jit(kernel)(*tuple(_d.values())))

</pallas_src>

<mosaic_0001>
#map = affine_map<(d0, d1) -> (0, 0)>
#map1 = affine_map<(d0, d1) -> (0)>
module attributes {stable_mosaic.version = 14 : i64} {
  func.func @sc(%arg0: i32, %arg1: i32, %arg2: memref<100000x8xf32, #tpu.memory_space<hbm>>, %arg3: memref<100000x16xf32, #tpu.memory_space<hbm>>, %arg4: memref<100000xi32, #tpu.memory_space<hbm>>, %arg5: memref<128x128xi32, #tpu.memory_space<hbm>>, %arg6: memref<196608xf32, #tpu.memory_space<hbm>>, %arg7: memref<4x128xi32, #tpu.memory_space<vmem>>, %arg8: memref<4x128xi32, #tpu.memory_space<vmem>>, %arg9: memref<512x8xf32, #tpu.memory_space<vmem>>, %arg10: memref<512x16xf32, #tpu.memory_space<vmem>>, %arg11: memref<6144xf32, #tpu.memory_space<vmem>>, %arg12: memref<!tpu.dma_semaphore, #tpu.memory_space<semaphore_mem>>, %arg13: memref<!tpu.dma_semaphore, #tpu.memory_space<semaphore_mem>>, %arg14: memref<!tpu.dma_semaphore, #tpu.memory_space<semaphore_mem>>) attributes {dimension_semantics = [#tpu.dimension_semantics<core_parallel>, #tpu.dimension_semantics<subcore_parallel>], iteration_bounds = array<i64: 2, 16>, scalar_prefetch = 0 : i64, scratch_operands = 8 : i64, tpu.core_type = #tpu.core_type<sc_vector_subcore>, window_params = [{transform_indices = #map}, {transform_indices = #map}, {transform_indices = #map1}, {transform_indices = #map}, {transform_indices = #map1}]} {
    %mul3A = arith.constant 2 : i32
    %mul3A_0 = arith.muli %arg1, %mul3A : i32
    %add3A = arith.addi %mul3A_0, %arg0 : i32
    %mul3A_1 = arith.constant 512 : i32
    %mul3A_2 = arith.muli %add3A, %mul3A_1 : i32
    %mul3A_3 = arith.constant 4 : i32
    %mul3A_4 = arith.muli %add3A, %mul3A_3 : i32
    "tpu.region"() ({
      %run_scoped3A = tpu.sem_alloc : memref<!tpu.dma_semaphore, #tpu.memory_space<semaphore_mem>>
      %dma_start3A_251 = arith.constant 0 : i32
      %dma_start3A_252 = tpu.memref_slice %arg5[%mul3A_4, %dma_start3A_251] : memref<128x128xi32, #tpu.memory_space<hbm>> -> memref<4x128xi32, #tpu.memory_space<hbm>>
      %dma_start3A_253 = arith.constant 0 : i32
      %dma_start3A_254 = tpu.memref_slice %arg5[%mul3A_4, %dma_start3A_253] : memref<128x128xi32, #tpu.memory_space<hbm>> -> memref<4x128xi32, #tpu.memory_space<hbm>>
      tpu.enqueue_dma source(%dma_start3A_254 : memref<4x128xi32, #tpu.memory_space<hbm>>) target(%arg7 : memref<4x128xi32, #tpu.memory_space<vmem>>) target_semaphore(%run_scoped3A : memref<!tpu.dma_semaphore, #tpu.memory_space<semaphore_mem>>)
      %dma_wait3A_255 = arith.constant 0 : i32
      %dma_wait3A_256 = tpu.memref_slice %arg5[%mul3A_4, %dma_wait3A_255] : memref<128x128xi32, #tpu.memory_space<hbm>> -> memref<4x128xi32, #tpu.memory_space<hbm>>
      %dma_wait3A_257 = arith.constant 0 : i32
      %dma_wait3A_258 = tpu.memref_slice %arg5[%mul3A_4, %dma_wait3A_257] : memref<128x128xi32, #tpu.memory_space<hbm>> -> memref<4x128xi32, #tpu.memory_space<hbm>>
      tpu.wait_dma2 semaphore(%run_scoped3A : memref<!tpu.dma_semaphore, #tpu.memory_space<semaphore_mem>>) src(%dma_wait3A_258 : memref<4x128xi32, #tpu.memory_space<hbm>>) dst(%arg7 : memref<4x128xi32, #tpu.memory_space<vmem>>)
      tpu.yield
    }) : () -> ()
    %dma_start3A = arith.constant 0 : i32
    %dma_start3A_5 = arith.constant 0 : i32
    %dma_start3A_6 = arith.constant 0 : i32
    %dma_start3A_7 = tpu.memref_slice %arg9[%dma_start3A_5, %dma_start3A_6] : memref<512x8xf32, #tpu.memory_space<vmem>> -> memref<128x8xf32, #tpu.memory_space<vmem>>
    %dma_start3A_8 = arith.constant 0 : i32
    %dma_start3A_9 = tpu.memref_slice %arg7[%dma_start3A, %dma_start3A_8] : memref<4x128xi32, #tpu.memory_space<vmem>> -> memref<1x128xi32, #tpu.memory_space<vmem>>
    %dma_start3A_10 = tpu.memref_squeeze %dma_start3A_9 : memref<1x128xi32, #tpu.memory_space<vmem>> -> memref<128xi32, #tpu.memory_space<vmem>>
    %dma_start3A_11 = arith.constant 0 : i32
    %dma_start3A_12 = arith.constant 0 : i32
    %dma_start3A_13 = tpu.memref_slice %arg2[%dma_start3A_11, %dma_start3A_12] : memref<100000x8xf32, #tpu.memory_space<hbm>> -> memref<100000x8xf32, #tpu.memory_space<hbm>>
    tpu.enqueue_indirect_dma source(%dma_start3A_13 : memref<100000x8xf32, #tpu.memory_space<hbm>>) target(%dma_start3A_7 : memref<128x8xf32, #tpu.memory_space<vmem>>) offsets(%dma_start3A_10 : memref<128xi32, #tpu.memory_space<vmem>>) semaphore(%arg12 : memref<!tpu.dma_semaphore, #tpu.memory_space<semaphore_mem>>)
    %dma_start3A_14 = arith.constant 0 : i32
    %dma_start3A_15 = arith.constant 0 : i32
    %dma_start3A_16 = arith.constant 0 : i32
    %dma_start3A_17 = tpu.memref_slice %arg8[%dma_start3A_15, %dma_start3A_16] : memref<4x128xi32, #tpu.memory_space<vmem>> -> memref<1x128xi32, #tpu.memory_space<vmem>>
    %dma_start3A_18 = tpu.memref_squeeze %dma_start3A_17 : memref<1x128xi32, #tpu.memory_space<vmem>> -> memref<128xi32, #tpu.memory_space<vmem>>
    %dma_start3A_19 = arith.constant 0 : i32
    %dma_start3A_20 = tpu.memref_slice %arg7[%dma_start3A_14, %dma_start3A_19] : memref<4x128xi32, #tpu.memory_space<vmem>> -> memref<1x128xi32, #tpu.memory_space<vmem>>
    %dma_start3A_21 = tpu.memref_squeeze %dma_start3A_20 : memref<1x128xi32, #tpu.memory_space<vmem>> -> memref<128xi32, #tpu.memory_space<vmem>>
    %dma_start3A_22 = arith.constant 0 : i32
    %dma_start3A_23 = tpu.memref_slice %arg4[%dma_start3A_22] : memref<100000xi32, #tpu.memory_space<hbm>> -> memref<100000xi32, #tpu.memory_space<hbm>>
    tpu.enqueue_indirect_dma source(%dma_start3A_23 : memref<100000xi32, #tpu.memory_space<hbm>>) target(%dma_start3A_18 : memref<128xi32, #tpu.memory_space<vmem>>) offsets(%dma_start3A_21 : memref<128xi32, #tpu.memory_space<vmem>>) semaphore(%arg13 : memref<!tpu.dma_semaphore, #tpu.memory_space<semaphore_mem>>)
    %dma_start3A_24 = arith.constant 1 : i32
    %dma_start3A_25 = arith.constant 128 : i32
    %dma_start3A_26 = arith.constant 0 : i32
    %dma_start3A_27 = tpu.memref_slice %arg9[%dma_start3A_25, %dma_start3A_26] : memref<512x8xf32, #tpu.memory_space<vmem>> -> memref<128x8xf32, #tpu.memory_space<vmem>>
    %dma_start3A_28 = arith.constant 0 : i32
    %dma_start3A_29 = tpu.memref_slice %arg7[%dma_start3A_24, %dma_start3A_28] : memref<4x128xi32, #tpu.memory_space<vmem>> -> memref<1x128xi32, #tpu.memory_space<vmem>>
    %dma_start3A_30 = tpu.memref_squeeze %dma_start3A_29 : memref<1x128xi32, #tpu.memory_space<vmem>> -> memref<128xi32, #tpu.memory_space<vmem>>
    %dma_start3A_31 = arith.constant 0 : i32
    %dma_start3A_32 = arith.constant 0 : i32
    %dma_start3A_33 = tpu.memref_slice %arg2[%dma_start3A_31, %dma_start3A_32] : memref<100000x8xf32, #tpu.memory_space<hbm>> -> memref<100000x8xf32, #tpu.memory_space<hbm>>
    tpu.enqueue_indirect_dma source(%dma_start3A_33 : memref<100000x8xf32, #tpu.memory_space<hbm>>) target(%dma_start3A_27 : memref<128x8xf32, #tpu.memory_space<vmem>>) offsets(%dma_start3A_30 : memref<128xi32, #tpu.memory_space<vmem>>) semaphore(%arg12 : memref<!tpu.dma_semaphore, #tpu.memory_space<semaphore_mem>>)
    %dma_start3A_34 = arith.constant 1 : i32
    %dma_start3A_35 = arith.constant 1 : i32
    %dma_start3A_36 = arith.constant 0 : i32
    %dma_start3A_37 = tpu.memref_slice %arg8[%dma_start3A_35, %dma_start3A_36] : memref<4x128xi32, #tpu.memory_space<vmem>> -> memref<1x128xi32, #tpu.memory_space<vmem>>
    %dma_start3A_38 = tpu.memref_squeeze %dma_start3A_37 : memref<1x128xi32, #tpu.memory_space<vmem>> -> memref<128xi32, #tpu.memory_space<vmem>>
    %dma_start3A_39 = arith.constant 0 : i32
    %dma_start3A_40 = tpu.memref_slice %arg7[%dma_start3A_34, %dma_start3A_39] : memref<4x128xi32, #tpu.memory_space<vmem>> -> memref<1x128xi32, #tpu.memory_space<vmem>>
    %dma_start3A_41 = tpu.memref_squeeze %dma_start3A_40 : memref<1x128xi32, #tpu.memory_space<vmem>> -> memref<128xi32, #tpu.memory_space<vmem>>
    %dma_start3A_42 = arith.constant 0 : i32
    %dma_start3A_43 = tpu.memref_slice %arg4[%dma_start3A_42] : memref<100000xi32, #tpu.memory_space<hbm>> -> memref<100000xi32, #tpu.memory_space<hbm>>
    tpu.enqueue_indirect_dma source(%dma_start3A_43 : memref<100000xi32, #tpu.memory_space<hbm>>) target(%dma_start3A_38 : memref<128xi32, #tpu.memory_space<vmem>>) offsets(%dma_start3A_41 : memref<128xi32, #tpu.memory_space<vmem>>) semaphore(%arg13 : memref<!tpu.dma_semaphore, #tpu.memory_space<semaphore_mem>>)
    %dma_start3A_44 = arith.constant 2 : i32
    %dma_start3A_45 = arith.constant 256 : i32
    %dma_start3A_46 = arith.constant 0 : i32
    %dma_start3A_47 = tpu.memref_slice %arg9[%dma_start3A_45, %dma_start3A_46] : memref<512x8xf32, #tpu.memory_space<vmem>> -> memref<128x8xf32, #tpu.memory_space<vmem>>
    %dma_start3A_48 = arith.constant 0 : i32
    %dma_start3A_49 = tpu.memref_slice %arg7[%dma_start3A_44, %dma_start3A_48] : memref<4x128xi32, #tpu.memory_space<vmem>> -> memref<1x128xi32, #tpu.memory_space<vmem>>
    %dma_start3A_50 = tpu.memref_squeeze %dma_start3A_49 : memref<1x128xi32, #tpu.memory_space<vmem>> -> memref<128xi32, #tpu.memory_space<vmem>>
    %dma_start3A_51 = arith.constant 0 : i32
    %dma_start3A_52 = arith.constant 0 : i32
    %dma_start3A_53 = tpu.memref_slice %arg2[%dma_start3A_51, %dma_start3A_52] : memref<100000x8xf32, #tpu.memory_space<hbm>> -> memref<100000x8xf32, #tpu.memory_space<hbm>>
    tpu.enqueue_indirect_dma source(%dma_start3A_53 : memref<100000x8xf32, #tpu.memory_space<hbm>>) target(%dma_start3A_47 : memref<128x8xf32, #tpu.memory_space<vmem>>) offsets(%dma_start3A_50 : memref<128xi32, #tpu.memory_space<vmem>>) semaphore(%arg12 : memref<!tpu.dma_semaphore, #tpu.memory_space<semaphore_mem>>)
    %dma_start3A_54 = arith.constant 2 : i32
    %dma_start3A_55 = arith.constant 2 : i32
    %dma_start3A_56 = arith.constant 0 : i32
    %dma_start3A_57 = tpu.memref_slice %arg8[%dma_start3A_55, %dma_start3A_56] : memref<4x128xi32, #tpu.memory_space<vmem>> -> memref<1x128xi32, #tpu.memory_space<vmem>>
    %dma_start3A_58 = tpu.memref_squeeze %dma_start3A_57 : memref<1x128xi32, #tpu.memory_space<vmem>> -> memref<128xi32, #tpu.memory_space<vmem>>
    %dma_start3A_59 = arith.constant 0 : i32
    %dma_start3A_60 = tpu.memref_slice %arg7[%dma_start3A_54, %dma_start3A_59] : memref<4x128xi32, #tpu.memory_space<vmem>> -> memref<1x128xi32, #tpu.memory_space<vmem>>
    %dma_start3A_61 = tpu.memref_squeeze %dma_start3A_60 : memref<1x128xi32, #tpu.memory_space<vmem>> -> memref<128xi32, #tpu.memory_space<vmem>>
    %dma_start3A_62 = arith.constant 0 : i32
    %dma_start3A_63 = tpu.memref_slice %arg4[%dma_start3A_62] : memref<100000xi32, #tpu.memory_space<hbm>> -> memref<100000xi32, #tpu.memory_space<hbm>>
    tpu.enqueue_indirect_dma source(%dma_start3A_63 : memref<100000xi32, #tpu.memory_space<hbm>>) target(%dma_start3A_58 : memref<128xi32, #tpu.memory_space<vmem>>) offsets(%dma_start3A_61 : memref<128xi32, #tpu.memory_space<vmem>>) semaphore(%arg13 : memref<!tpu.dma_semaphore, #tpu.memory_space<semaphore_mem>>)
    %dma_start3A_64 = arith.constant 3 : i32
    %dma_start3A_65 = arith.constant 384 : i32
    %dma_start3A_66 = arith.constant 0 : i32
    %dma_start3A_67 = tpu.memref_slice %arg9[%dma_start3A_65, %dma_start3A_66] : memref<512x8xf32, #tpu.memory_space<vmem>> -> memref<128x8xf32, #tpu.memory_space<vmem>>
    %dma_start3A_68 = arith.constant 0 : i32
    %dma_start3A_69 = tpu.memref_slice %arg7[%dma_start3A_64, %dma_start3A_68] : memref<4x128xi32, #tpu.memory_space<vmem>> -> memref<1x128xi32, #tpu.memory_space<vmem>>
    %dma_start3A_70 = tpu.memref_squeeze %dma_start3A_69 : memref<1x128xi32, #tpu.memory_space<vmem>> -> memref<128xi32, #tpu.memory_space<vmem>>
    %dma_start3A_71 = arith.constant 0 : i32
    %dma_start3A_72 = arith.constant 0 : i32
    %dma_start3A_73 = tpu.memref_slice %arg2[%dma_start3A_71, %dma_start3A_72] : memref<100000x8xf32, #tpu.memory_space<hbm>> -> memref<100000x8xf32, #tpu.memory_space<hbm>>
    tpu.enqueue_indirect_dma source(%dma_start3A_73 : memref<100000x8xf32, #tpu.memory_space<hbm>>) target(%dma_start3A_67 : memref<128x8xf32, #tpu.memory_space<vmem>>) offsets(%dma_start3A_70 : memref<128xi32, #tpu.memory_space<vmem>>) semaphore(%arg12 : memref<!tpu.dma_semaphore, #tpu.memory_space<semaphore_mem>>)
    %dma_start3A_74 = arith.constant 3 : i32
    %dma_start3A_75 = arith.constant 3 : i32
    %dma_start3A_76 = arith.constant 0 : i32
    %dma_start3A_77 = tpu.memref_slice %arg8[%dma_start3A_75, %dma_start3A_76] : memref<4x128xi32, #tpu.memory_space<vmem>> -> memref<1x128xi32, #tpu.memory_space<vmem>>
    %dma_start3A_78 = tpu.memref_squeeze %dma_start3A_77 : memref<1x128xi32, #tpu.memory_space<vmem>> -> memref<128xi32, #tpu.memory_space<vmem>>
    %dma_start3A_79 = arith.constant 0 : i32
    %dma_start3A_80 = tpu.memref_slice %arg7[%dma_start3A_74, %dma_start3A_79] : memref<4x128xi32, #tpu.memory_space<vmem>> -> memref<1x128xi32, #tpu.memory_space<vmem>>
    %dma_start3A_81 = tpu.memref_squeeze %dma_start3A_80 : memref<1x128xi32, #tpu.memory_space<vmem>> -> memref<128xi32, #tpu.memory_space<vmem>>
    %dma_start3A_82 = arith.constant 0 : i32
    %dma_start3A_83 = tpu.memref_slice %arg4[%dma_start3A_82] : memref<100000xi32, #tpu.memory_space<hbm>> -> memref<100000xi32, #tpu.memory_space<hbm>>
    tpu.enqueue_indirect_dma source(%dma_start3A_83 : memref<100000xi32, #tpu.memory_space<hbm>>) target(%dma_start3A_78 : memref<128xi32, #tpu.memory_space<vmem>>) offsets(%dma_start3A_81 : memref<128xi32, #tpu.memory_space<vmem>>) semaphore(%arg13 : memref<!tpu.dma_semaphore, #tpu.memory_space<semaphore_mem>>)
    %dma_wait3A = arith.constant 0 : i32
    %dma_wait3A_84 = arith.constant 0 : i32
    %dma_wait3A_85 = arith.constant 0 : i32
    %dma_wait3A_86 = tpu.memref_slice %arg8[%dma_wait3A_84, %dma_wait3A_85] : memref<4x128xi32, #tpu.memory_space<vmem>> -> memref<1x128xi32, #tpu.memory_space<vmem>>
    %dma_wait3A_87 = tpu.memref_squeeze %dma_wait3A_86 : memref<1x128xi32, #tpu.memory_space<vmem>> -> memref<128xi32, #tpu.memory_space<vmem>>
    %dma_wait3A_88 = arith.constant 0 : i32
    %dma_wait3A_89 = tpu.memref_slice %arg7[%dma_wait3A, %dma_wait3A_88] : memref<4x128xi32, #tpu.memory_space<vmem>> -> memref<1x128xi32, #tpu.memory_space<vmem>>
    %dma_wait3A_90 = tpu.memref_squeeze %dma_wait3A_89 : memref<1x128xi32, #tpu.memory_space<vmem>> -> memref<128xi32, #tpu.memory_space<vmem>>
    %dma_wait3A_91 = arith.constant 0 : i32
    %dma_wait3A_92 = tpu.memref_slice %arg4[%dma_wait3A_91] : memref<100000xi32, #tpu.memory_space<hbm>> -> memref<100000xi32, #tpu.memory_space<hbm>>
    tpu.wait_indirect_dma semaphore(%arg13 : memref<!tpu.dma_semaphore, #tpu.memory_space<semaphore_mem>>) src(%dma_wait3A_92 : memref<100000xi32, #tpu.memory_space<hbm>>) dst(%dma_wait3A_87 : memref<128xi32, #tpu.memory_space<vmem>>)
    %dma_wait3A_93 = arith.constant 1 : i32
    %dma_wait3A_94 = arith.constant 1 : i32
    %dma_wait3A_95 = arith.constant 0 : i32
    %dma_wait3A_96 = tpu.memref_slice %arg8[%dma_wait3A_94, %dma_wait3A_95] : memref<4x128xi32, #tpu.memory_space<vmem>> -> memref<1x128xi32, #tpu.memory_space<vmem>>
    %dma_wait3A_97 = tpu.memref_squeeze %dma_wait3A_96 : memref<1x128xi32, #tpu.memory_space<vmem>> -> memref<128xi32, #tpu.memory_space<vmem>>
    %dma_wait3A_98 = arith.constant 0 : i32
    %dma_wait3A_99 = tpu.memref_slice %arg7[%dma_wait3A_93, %dma_wait3A_98] : memref<4x128xi32, #tpu.memory_space<vmem>> -> memref<1x128xi32, #tpu.memory_space<vmem>>
    %dma_wait3A_100 = tpu.memref_squeeze %dma_wait3A_99 : memref<1x128xi32, #tpu.memory_space<vmem>> -> memref<128xi32, #tpu.memory_space<vmem>>
    %dma_wait3A_101 = arith.constant 0 : i32
    %dma_wait3A_102 = tpu.memref_slice %arg4[%dma_wait3A_101] : memref<100000xi32, #tpu.memory_space<hbm>> -> memref<100000xi32, #tpu.memory_space<hbm>>
    tpu.wait_indirect_dma semaphore(%arg13 : memref<!tpu.dma_semaphore, #tpu.memory_space<semaphore_mem>>) src(%dma_wait3A_102 : memref<100000xi32, #tpu.memory_space<hbm>>) dst(%dma_wait3A_97 : memref<128xi32, #tpu.memory_space<vmem>>)
    %dma_wait3A_103 = arith.constant 2 : i32
    %dma_wait3A_104 = arith.constant 2 : i32
    %dma_wait3A_105 = arith.constant 0 : i32
    %dma_wait3A_106 = tpu.memref_slice %arg8[%dma_wait3A_104, %dma_wait3A_105] : memref<4x128xi32, #tpu.memory_space<vmem>> -> memref<1x128xi32, #tpu.memory_space<vmem>>
    %dma_wait3A_107 = tpu.memref_squeeze %dma_wait3A_106 : memref<1x128xi32, #tpu.memory_space<vmem>> -> memref<128xi32, #tpu.memory_space<vmem>>
    %dma_wait3A_108 = arith.constant 0 : i32
    %dma_wait3A_109 = tpu.memref_slice %arg7[%dma_wait3A_103, %dma_wait3A_108] : memref<4x128xi32, #tpu.memory_space<vmem>> -> memref<1x128xi32, #tpu.memory_space<vmem>>
    %dma_wait3A_110 = tpu.memref_squeeze %dma_wait3A_109 : memref<1x128xi32, #tpu.memory_space<vmem>> -> memref<128xi32, #tpu.memory_space<vmem>>
    %dma_wait3A_111 = arith.constant 0 : i32
    %dma_wait3A_112 = tpu.memref_slice %arg4[%dma_wait3A_111] : memref<100000xi32, #tpu.memory_space<hbm>> -> memref<100000xi32, #tpu.memory_space<hbm>>
    tpu.wait_indirect_dma semaphore(%arg13 : memref<!tpu.dma_semaphore, #tpu.memory_space<semaphore_mem>>) src(%dma_wait3A_112 : memref<100000xi32, #tpu.memory_space<hbm>>) dst(%dma_wait3A_107 : memref<128xi32, #tpu.memory_space<vmem>>)
    %dma_wait3A_113 = arith.constant 3 : i32
    %dma_wait3A_114 = arith.constant 3 : i32
    %dma_wait3A_115 = arith.constant 0 : i32
    %dma_wait3A_116 = tpu.memref_slice %arg8[%dma_wait3A_114, %dma_wait3A_115] : memref<4x128xi32, #tpu.memory_space<vmem>> -> memref<1x128xi32, #tpu.memory_space<vmem>>
    %dma_wait3A_117 = tpu.memref_squeeze %dma_wait3A_116 : memref<1x128xi32, #tpu.memory_space<vmem>> -> memref<128xi32, #tpu.memory_space<vmem>>
    %dma_wait3A_118 = arith.constant 0 : i32
    %dma_wait3A_119 = tpu.memref_slice %arg7[%dma_wait3A_113, %dma_wait3A_118] : memref<4x128xi32, #tpu.memory_space<vmem>> -> memref<1x128xi32, #tpu.memory_space<vmem>>
    %dma_wait3A_120 = tpu.memref_squeeze %dma_wait3A_119 : memref<1x128xi32, #tpu.memory_space<vmem>> -> memref<128xi32, #tpu.memory_space<vmem>>
    %dma_wait3A_121 = arith.constant 0 : i32
    %dma_wait3A_122 = tpu.memref_slice %arg4[%dma_wait3A_121] : memref<100000xi32, #tpu.memory_space<hbm>> -> memref<100000xi32, #tpu.memory_space<hbm>>
    tpu.wait_indirect_dma semaphore(%arg13 : memref<!tpu.dma_semaphore, #tpu.memory_space<semaphore_mem>>) src(%dma_wait3A_122 : memref<100000xi32, #tpu.memory_space<hbm>>) dst(%dma_wait3A_117 : memref<128xi32, #tpu.memory_space<vmem>>)
    %dma_start3A_123 = arith.constant 0 : i32
    %dma_start3A_124 = arith.constant 0 : i32
    %dma_start3A_125 = arith.constant 0 : i32
    %dma_start3A_126 = tpu.memref_slice %arg10[%dma_start3A_124, %dma_start3A_125] : memref<512x16xf32, #tpu.memory_space<vmem>> -> memref<128x16xf32, #tpu.memory_space<vmem>>
    %dma_start3A_127 = arith.constant 0 : i32
    %dma_start3A_128 = tpu.memref_slice %arg8[%dma_start3A_123, %dma_start3A_127] : memref<4x128xi32, #tpu.memory_space<vmem>> -> memref<1x128xi32, #tpu.memory_space<vmem>>
    %dma_start3A_129 = tpu.memref_squeeze %dma_start3A_128 : memref<1x128xi32, #tpu.memory_space<vmem>> -> memref<128xi32, #tpu.memory_space<vmem>>
    %dma_start3A_130 = arith.constant 0 : i32
    %dma_start3A_131 = arith.constant 0 : i32
    %dma_start3A_132 = tpu.memref_slice %arg3[%dma_start3A_130, %dma_start3A_131] : memref<100000x16xf32, #tpu.memory_space<hbm>> -> memref<100000x16xf32, #tpu.memory_space<hbm>>
    tpu.enqueue_indirect_dma source(%dma_start3A_132 : memref<100000x16xf32, #tpu.memory_space<hbm>>) target(%dma_start3A_126 : memref<128x16xf32, #tpu.memory_space<vmem>>) offsets(%dma_start3A_129 : memref<128xi32, #tpu.memory_space<vmem>>) semaphore(%arg14 : memref<!tpu.dma_semaphore, #tpu.memory_space<semaphore_mem>>)
    %dma_start3A_133 = arith.constant 1 : i32
    %dma_start3A_134 = arith.constant 128 : i32
    %dma_start3A_135 = arith.constant 0 : i32
    %dma_start3A_136 = tpu.memref_slice %arg10[%dma_start3A_134, %dma_start3A_135] : memref<512x16xf32, #tpu.memory_space<vmem>> -> memref<128x16xf32, #tpu.memory_space<vmem>>
    %dma_start3A_137 = arith.constant 0 : i32
    %dma_start3A_138 = tpu.memref_slice %arg8[%dma_start3A_133, %dma_start3A_137] : memref<4x128xi32, #tpu.memory_space<vmem>> -> memref<1x128xi32, #tpu.memory_space<vmem>>
    %dma_start3A_139 = tpu.memref_squeeze %dma_start3A_138 : memref<1x128xi32, #tpu.memory_space<vmem>> -> memref<128xi32, #tpu.memory_space<vmem>>
    %dma_start3A_140 = arith.constant 0 : i32
    %dma_start3A_141 = arith.constant 0 : i32
    %dma_start3A_142 = tpu.memref_slice %arg3[%dma_start3A_140, %dma_start3A_141] : memref<100000x16xf32, #tpu.memory_space<hbm>> -> memref<100000x16xf32, #tpu.memory_space<hbm>>
    tpu.enqueue_indirect_dma source(%dma_start3A_142 : memref<100000x16xf32, #tpu.memory_space<hbm>>) target(%dma_start3A_136 : memref<128x16xf32, #tpu.memory_space<vmem>>) offsets(%dma_start3A_139 : memref<128xi32, #tpu.memory_space<vmem>>) semaphore(%arg14 : memref<!tpu.dma_semaphore, #tpu.memory_space<semaphore_mem>>)
    %dma_start3A_143 = arith.constant 2 : i32
    %dma_start3A_144 = arith.constant 256 : i32
    %dma_start3A_145 = arith.constant 0 : i32
    %dma_start3A_146 = tpu.memref_slice %arg10[%dma_start3A_144, %dma_start3A_145] : memref<512x16xf32, #tpu.memory_space<vmem>> -> memref<128x16xf32, #tpu.memory_space<vmem>>
    %dma_start3A_147 = arith.constant 0 : i32
    %dma_start3A_148 = tpu.memref_slice %arg8[%dma_start3A_143, %dma_start3A_147] : memref<4x128xi32, #tpu.memory_space<vmem>> -> memref<1x128xi32, #tpu.memory_space<vmem>>
    %dma_start3A_149 = tpu.memref_squeeze %dma_start3A_148 : memref<1x128xi32, #tpu.memory_space<vmem>> -> memref<128xi32, #tpu.memory_space<vmem>>
    %dma_start3A_150 = arith.constant 0 : i32
    %dma_start3A_151 = arith.constant 0 : i32
    %dma_start3A_152 = tpu.memref_slice %arg3[%dma_start3A_150, %dma_start3A_151] : memref<100000x16xf32, #tpu.memory_space<hbm>> -> memref<100000x16xf32, #tpu.memory_space<hbm>>
    tpu.enqueue_indirect_dma source(%dma_start3A_152 : memref<100000x16xf32, #tpu.memory_space<hbm>>) target(%dma_start3A_146 : memref<128x16xf32, #tpu.memory_space<vmem>>) offsets(%dma_start3A_149 : memref<128xi32, #tpu.memory_space<vmem>>) semaphore(%arg14 : memref<!tpu.dma_semaphore, #tpu.memory_space<semaphore_mem>>)
    %dma_start3A_153 = arith.constant 3 : i32
    %dma_start3A_154 = arith.constant 384 : i32
    %dma_start3A_155 = arith.constant 0 : i32
    %dma_start3A_156 = tpu.memref_slice %arg10[%dma_start3A_154, %dma_start3A_155] : memref<512x16xf32, #tpu.memory_space<vmem>> -> memref<128x16xf32, #tpu.memory_space<vmem>>
    %dma_start3A_157 = arith.constant 0 : i32
    %dma_start3A_158 = tpu.memref_slice %arg8[%dma_start3A_153, %dma_start3A_157] : memref<4x128xi32, #tpu.memory_space<vmem>> -> memref<1x128xi32, #tpu.memory_space<vmem>>
    %dma_start3A_159 = tpu.memref_squeeze %dma_start3A_158 : memref<1x128xi32, #tpu.memory_space<vmem>> -> memref<128xi32, #tpu.memory_space<vmem>>
    %dma_start3A_160 = arith.constant 0 : i32
    %dma_start3A_161 = arith.constant 0 : i32
    %dma_start3A_162 = tpu.memref_slice %arg3[%dma_start3A_160, %dma_start3A_161] : memref<100000x16xf32, #tpu.memory_space<hbm>> -> memref<100000x16xf32, #tpu.memory_space<hbm>>
    tpu.enqueue_indirect_dma source(%dma_start3A_162 : memref<100000x16xf32, #tpu.memory_space<hbm>>) target(%dma_start3A_156 : memref<128x16xf32, #tpu.memory_space<vmem>>) offsets(%dma_start3A_159 : memref<128xi32, #tpu.memory_space<vmem>>) semaphore(%arg14 : memref<!tpu.dma_semaphore, #tpu.memory_space<semaphore_mem>>)
    %dma_wait3A_163 = arith.constant 0 : i32
    %dma_wait3A_164 = arith.constant 0 : i32
    %dma_wait3A_165 = arith.constant 0 : i32
    %dma_wait3A_166 = tpu.memref_slice %arg9[%dma_wait3A_164, %dma_wait3A_165] : memref<512x8xf32, #tpu.memory_space<vmem>> -> memref<128x8xf32, #tpu.memory_space<vmem>>
    %dma_wait3A_167 = arith.constant 0 : i32
    %dma_wait3A_168 = tpu.memref_slice %arg7[%dma_wait3A_163, %dma_wait3A_167] : memref<4x128xi32, #tpu.memory_space<vmem>> -> memref<1x128xi32, #tpu.memory_space<vmem>>
    %dma_wait3A_169 = tpu.memref_squeeze %dma_wait3A_168 : memref<1x128xi32, #tpu.memory_space<vmem>> -> memref<128xi32, #tpu.memory_space<vmem>>
    %dma_wait3A_170 = arith.constant 0 : i32
    %dma_wait3A_171 = arith.constant 0 : i32
    %dma_wait3A_172 = tpu.memref_slice %arg2[%dma_wait3A_170, %dma_wait3A_171] : memref<100000x8xf32, #tpu.memory_space<hbm>> -> memref<100000x8xf32, #tpu.memory_space<hbm>>
    tpu.wait_indirect_dma semaphore(%arg12 : memref<!tpu.dma_semaphore, #tpu.memory_space<semaphore_mem>>) src(%dma_wait3A_172 : memref<100000x8xf32, #tpu.memory_space<hbm>>) dst(%dma_wait3A_166 : memref<128x8xf32, #tpu.memory_space<vmem>>)
    %dma_wait3A_173 = arith.constant 1 : i32
    %dma_wait3A_174 = arith.constant 128 : i32
    %dma_wait3A_175 = arith.constant 0 : i32
    %dma_wait3A_176 = tpu.memref_slice %arg9[%dma_wait3A_174, %dma_wait3A_175] : memref<512x8xf32, #tpu.memory_space<vmem>> -> memref<128x8xf32, #tpu.memory_space<vmem>>
    %dma_wait3A_177 = arith.constant 0 : i32
    %dma_wait3A_178 = tpu.memref_slice %arg7[%dma_wait3A_173, %dma_wait3A_177] : memref<4x128xi32, #tpu.memory_space<vmem>> -> memref<1x128xi32, #tpu.memory_space<vmem>>
    %dma_wait3A_179 = tpu.memref_squeeze %dma_wait3A_178 : memref<1x128xi32, #tpu.memory_space<vmem>> -> memref<128xi32, #tpu.memory_space<vmem>>
    %dma_wait3A_180 = arith.constant 0 : i32
    %dma_wait3A_181 = arith.constant 0 : i32
    %dma_wait3A_182 = tpu.memref_slice %arg2[%dma_wait3A_180, %dma_wait3A_181] : memref<100000x8xf32, #tpu.memory_space<hbm>> -> memref<100000x8xf32, #tpu.memory_space<hbm>>
    tpu.wait_indirect_dma semaphore(%arg12 : memref<!tpu.dma_semaphore, #tpu.memory_space<semaphore_mem>>) src(%dma_wait3A_182 : memref<100000x8xf32, #tpu.memory_space<hbm>>) dst(%dma_wait3A_176 : memref<128x8xf32, #tpu.memory_space<vmem>>)
    %dma_wait3A_183 = arith.constant 2 : i32
    %dma_wait3A_184 = arith.constant 256 : i32
    %dma_wait3A_185 = arith.constant 0 : i32
    %dma_wait3A_186 = tpu.memref_slice %arg9[%dma_wait3A_184, %dma_wait3A_185] : memref<512x8xf32, #tpu.memory_space<vmem>> -> memref<128x8xf32, #tpu.memory_space<vmem>>
    %dma_wait3A_187 = arith.constant 0 : i32
    %dma_wait3A_188 = tpu.memref_slice %arg7[%dma_wait3A_183, %dma_wait3A_187] : memref<4x128xi32, #tpu.memory_space<vmem>> -> memref<1x128xi32, #tpu.memory_space<vmem>>
    %dma_wait3A_189 = tpu.memref_squeeze %dma_wait3A_188 : memref<1x128xi32, #tpu.memory_space<vmem>> -> memref<128xi32, #tpu.memory_space<vmem>>
    %dma_wait3A_190 = arith.constant 0 : i32
    %dma_wait3A_191 = arith.constant 0 : i32
    %dma_wait3A_192 = tpu.memref_slice %arg2[%dma_wait3A_190, %dma_wait3A_191] : memref<100000x8xf32, #tpu.memory_space<hbm>> -> memref<100000x8xf32, #tpu.memory_space<hbm>>
    tpu.wait_indirect_dma semaphore(%arg12 : memref<!tpu.dma_semaphore, #tpu.memory_space<semaphore_mem>>) src(%dma_wait3A_192 : memref<100000x8xf32, #tpu.memory_space<hbm>>) dst(%dma_wait3A_186 : memref<128x8xf32, #tpu.memory_space<vmem>>)
    %dma_wait3A_193 = arith.constant 3 : i32
    %dma_wait3A_194 = arith.constant 384 : i32
    %dma_wait3A_195 = arith.constant 0 : i32
    %dma_wait3A_196 = tpu.memref_slice %arg9[%dma_wait3A_194, %dma_wait3A_195] : memref<512x8xf32, #tpu.memory_space<vmem>> -> memref<128x8xf32, #tpu.memory_space<vmem>>
    %dma_wait3A_197 = arith.constant 0 : i32
    %dma_wait3A_198 = tpu.memref_slice %arg7[%dma_wait3A_193, %dma_wait3A_197] : memref<4x128xi32, #tpu.memory_space<vmem>> -> memref<1x128xi32, #tpu.memory_space<vmem>>
    %dma_wait3A_199 = tpu.memref_squeeze %dma_wait3A_198 : memref<1x128xi32, #tpu.memory_space<vmem>> -> memref<128xi32, #tpu.memory_space<vmem>>
    %dma_wait3A_200 = arith.constant 0 : i32
    %dma_wait3A_201 = arith.constant 0 : i32
    %dma_wait3A_202 = tpu.memref_slice %arg2[%dma_wait3A_200, %dma_wait3A_201] : memref<100000x8xf32, #tpu.memory_space<hbm>> -> memref<100000x8xf32, #tpu.memory_space<hbm>>
    tpu.wait_indirect_dma semaphore(%arg12 : memref<!tpu.dma_semaphore, #tpu.memory_space<semaphore_mem>>) src(%dma_wait3A_202 : memref<100000x8xf32, #tpu.memory_space<hbm>>) dst(%dma_wait3A_196 : memref<128x8xf32, #tpu.memory_space<vmem>>)
    %dma_wait3A_203 = arith.constant 0 : i32
    %dma_wait3A_204 = arith.constant 0 : i32
    %dma_wait3A_205 = arith.constant 0 : i32
    %dma_wait3A_206 = tpu.memref_slice %arg10[%dma_wait3A_204, %dma_wait3A_205] : memref<512x16xf32, #tpu.memory_space<vmem>> -> memref<128x16xf32, #tpu.memory_space<vmem>>
    %dma_wait3A_207 = arith.constant 0 : i32
    %dma_wait3A_208 = tpu.memref_slice %arg8[%dma_wait3A_203, %dma_wait3A_207] : memref<4x128xi32, #tpu.memory_space<vmem>> -> memref<1x128xi32, #tpu.memory_space<vmem>>
    %dma_wait3A_209 = tpu.memref_squeeze %dma_wait3A_208 : memref<1x128xi32, #tpu.memory_space<vmem>> -> memref<128xi32, #tpu.memory_space<vmem>>
    %dma_wait3A_210 = arith.constant 0 : i32
    %dma_wait3A_211 = arith.constant 0 : i32
    %dma_wait3A_212 = tpu.memref_slice %arg3[%dma_wait3A_210, %dma_wait3A_211] : memref<100000x16xf32, #tpu.memory_space<hbm>> -> memref<100000x16xf32, #tpu.memory_space<hbm>>
    tpu.wait_indirect_dma semaphore(%arg14 : memref<!tpu.dma_semaphore, #tpu.memory_space<semaphore_mem>>) src(%dma_wait3A_212 : memref<100000x16xf32, #tpu.memory_space<hbm>>) dst(%dma_wait3A_206 : memref<128x16xf32, #tpu.memory_space<vmem>>)
    %dma_wait3A_213 = arith.constant 1 : i32
    %dma_wait3A_214 = arith.constant 128 : i32
    %dma_wait3A_215 = arith.constant 0 : i32
    %dma_wait3A_216 = tpu.memref_slice %arg10[%dma_wait3A_214, %dma_wait3A_215] : memref<512x16xf32, #tpu.memory_space<vmem>> -> memref<128x16xf32, #tpu.memory_space<vmem>>
    %dma_wait3A_217 = arith.constant 0 : i32
    %dma_wait3A_218 = tpu.memref_slice %arg8[%dma_wait3A_213, %dma_wait3A_217] : memref<4x128xi32, #tpu.memory_space<vmem>> -> memref<1x128xi32, #tpu.memory_space<vmem>>
    %dma_wait3A_219 = tpu.memref_squeeze %dma_wait3A_218 : memref<1x128xi32, #tpu.memory_space<vmem>> -> memref<128xi32, #tpu.memory_space<vmem>>
    %dma_wait3A_220 = arith.constant 0 : i32
    %dma_wait3A_221 = arith.constant 0 : i32
    %dma_wait3A_222 = tpu.memref_slice %arg3[%dma_wait3A_220, %dma_wait3A_221] : memref<100000x16xf32, #tpu.memory_space<hbm>> -> memref<100000x16xf32, #tpu.memory_space<hbm>>
    tpu.wait_indirect_dma semaphore(%arg14 : memref<!tpu.dma_semaphore, #tpu.memory_space<semaphore_mem>>) src(%dma_wait3A_222 : memref<100000x16xf32, #tpu.memory_space<hbm>>) dst(%dma_wait3A_216 : memref<128x16xf32, #tpu.memory_space<vmem>>)
    %dma_wait3A_223 = arith.constant 2 : i32
    %dma_wait3A_224 = arith.constant 256 : i32
    %dma_wait3A_225 = arith.constant 0 : i32
    %dma_wait3A_226 = tpu.memref_slice %arg10[%dma_wait3A_224, %dma_wait3A_225] : memref<512x16xf32, #tpu.memory_space<vmem>> -> memref<128x16xf32, #tpu.memory_space<vmem>>
    %dma_wait3A_227 = arith.constant 0 : i32
    %dma_wait3A_228 = tpu.memref_slice %arg8[%dma_wait3A_223, %dma_wait3A_227] : memref<4x128xi32, #tpu.memory_space<vmem>> -> memref<1x128xi32, #tpu.memory_space<vmem>>
    %dma_wait3A_229 = tpu.memref_squeeze %dma_wait3A_228 : memref<1x128xi32, #tpu.memory_space<vmem>> -> memref<128xi32, #tpu.memory_space<vmem>>
    %dma_wait3A_230 = arith.constant 0 : i32
    %dma_wait3A_231 = arith.constant 0 : i32
    %dma_wait3A_232 = tpu.memref_slice %arg3[%dma_wait3A_230, %dma_wait3A_231] : memref<100000x16xf32, #tpu.memory_space<hbm>> -> memref<100000x16xf32, #tpu.memory_space<hbm>>
    tpu.wait_indirect_dma semaphore(%arg14 : memref<!tpu.dma_semaphore, #tpu.memory_space<semaphore_mem>>) src(%dma_wait3A_232 : memref<100000x16xf32, #tpu.memory_space<hbm>>) dst(%dma_wait3A_226 : memref<128x16xf32, #tpu.memory_space<vmem>>)
    %dma_wait3A_233 = arith.constant 3 : i32
    %dma_wait3A_234 = arith.constant 384 : i32
    %dma_wait3A_235 = arith.constant 0 : i32
    %dma_wait3A_236 = tpu.memref_slice %arg10[%dma_wait3A_234, %dma_wait3A_235] : memref<512x16xf32, #tpu.memory_space<vmem>> -> memref<128x16xf32, #tpu.memory_space<vmem>>
    %dma_wait3A_237 = arith.constant 0 : i32
    %dma_wait3A_238 = tpu.memref_slice %arg8[%dma_wait3A_233, %dma_wait3A_237] : memref<4x128xi32, #tpu.memory_space<vmem>> -> memref<1x128xi32, #tpu.memory_space<vmem>>
    %dma_wait3A_239 = tpu.memref_squeeze %dma_wait3A_238 : memref<1x128xi32, #tpu.memory_space<vmem>> -> memref<128xi32, #tpu.memory_space<vmem>>
    %dma_wait3A_240 = arith.constant 0 : i32
    %dma_wait3A_241 = arith.constant 0 : i32
    %dma_wait3A_242 = tpu.memref_slice %arg3[%dma_wait3A_240, %dma_wait3A_241] : memref<100000x16xf32, #tpu.memory_space<hbm>> -> memref<100000x16xf32, #tpu.memory_space<hbm>>
    tpu.wait_indirect_dma semaphore(%arg14 : memref<!tpu.dma_semaphore, #tpu.memory_space<semaphore_mem>>) src(%dma_wait3A_242 : memref<100000x16xf32, #tpu.memory_space<hbm>>) dst(%dma_wait3A_236 : memref<128x16xf32, #tpu.memory_space<vmem>>)
    %iota3A = tpu.iota {dimensions = array<i32: 0>} : vector<16xi32>
    %broadcast_in_dim3A = arith.constant 1.000000e+00 : f32
    %broadcast_in_dim3A_243 = vector.broadcast %broadcast_in_dim3A : f32 to vector<16xf32>
    %scan3A = arith.constant 0 : i32
    %scan3A_244 = arith.constant 0 : i32
    %scan3A_245 = arith.constant 32 : i32
    %scan3A_246 = arith.addi %scan3A_244, %scan3A_245 : i32
    %scan3A_247 = arith.constant 1 : i32
    scf.for %scan3A_251 = %scan3A_244 to %scan3A_246 step %scan3A_247  : i32 {
      %mul3A_252 = arith.constant 16 : i32
      %mul3A_253 = arith.muli %scan3A_251, %mul3A_252 : i32
      %add3A_254 = vector.broadcast %mul3A_253 : i32 to vector<16xi32>
      %add3A_255 = arith.addi %iota3A, %add3A_254 : vector<16xi32>
      %broadcast_in_dim3A_256 = arith.constant 0 : i32
      %broadcast_in_dim3A_257 = vector.broadcast %broadcast_in_dim3A_256 : i32 to vector<16xi32>
      %gather3A = tpu.vector_load_idx %arg9[%add3A_255, %broadcast_in_dim3A_257] : memref<512x8xf32, #tpu.memory_space<vmem>>[vector<16xi32>, vector<16xi32>], vector<16xf32>,
      %broadcast_in_dim3A_258 = arith.constant 1 : i32
      %broadcast_in_dim3A_259 = vector.broadcast %broadcast_in_dim3A_258 : i32 to vector<16xi32>
      %gather3A_260 = tpu.vector_load_idx %arg9[%add3A_255, %broadcast_in_dim3A_259] : memref<512x8xf32, #tpu.memory_space<vmem>>[vector<16xi32>, vector<16xi32>], vector<16xf32>,
      %broadcast_in_dim3A_261 = arith.constant 2 : i32
      %broadcast_in_dim3A_262 = vector.broadcast %broadcast_in_dim3A_261 : i32 to vector<16xi32>
      %gather3A_263 = tpu.vector_load_idx %arg9[%add3A_255, %broadcast_in_dim3A_262] : memref<512x8xf32, #tpu.memory_space<vmem>>[vector<16xi32>, vector<16xi32>], vector<16xf32>,
      %broadcast_in_dim3A_264 = arith.constant 3 : i32
      %broadcast_in_dim3A_265 = vector.broadcast %broadcast_in_dim3A_264 : i32 to vector<16xi32>
      %gather3A_266 = tpu.vector_load_idx %arg9[%add3A_255, %broadcast_in_dim3A_265] : memref<512x8xf32, #tpu.memory_space<vmem>>[vector<16xi32>, vector<16xi32>], vector<16xf32>,
      %broadcast_in_dim3A_267 = arith.constant 4 : i32
      %broadcast_in_dim3A_268 = vector.broadcast %broadcast_in_dim3A_267 : i32 to vector<16xi32>
      %gather3A_269 = tpu.vector_load_idx %arg9[%add3A_255, %broadcast_in_dim3A_268] : memref<512x8xf32, #tpu.memory_space<vmem>>[vector<16xi32>, vector<16xi32>], vector<16xf32>,
      %broadcast_in_dim3A_270 = arith.constant 5 : i32
      %broadcast_in_dim3A_271 = vector.broadcast %broadcast_in_dim3A_270 : i32 to vector<16xi32>
      %gather3A_272 = tpu.vector_load_idx %arg9[%add3A_255, %broadcast_in_dim3A_271] : memref<512x8xf32, #tpu.memory_space<vmem>>[vector<16xi32>, vector<16xi32>], vector<16xf32>,
      %mul3A_273 = arith.mulf %gather3A, %gather3A : vector<16xf32>
      %mul3A_274 = arith.mulf %gather3A_260, %gather3A_260 : vector<16xf32>
      %add3A_275 = arith.addf %mul3A_273, %mul3A_274 : vector<16xf32>
      %mul3A_276 = arith.mulf %gather3A_263, %gather3A_263 : vector<16xf32>
      %add3A_277 = arith.addf %add3A_275, %mul3A_276 : vector<16xf32>
      %broadcast_in_dim3A_278 = arith.constant 1.95729415E-20 : f32
      %broadcast_in_dim3A_279 = vector.broadcast %broadcast_in_dim3A_278 : f32 to vector<16xf32>
      %mul3A_280 = arith.mulf %broadcast_in_dim3A_279, %add3A_277 : vector<16xf32>
      %broadcast_in_dim3A_281 = arith.constant -8.22063508E-18 : f32
      %broadcast_in_dim3A_282 = vector.broadcast %broadcast_in_dim3A_281 : f32 to vector<16xf32>
      %add3A_283 = arith.addf %mul3A_280, %broadcast_in_dim3A_282 : vector<16xf32>
      %mul3A_284 = arith.mulf %add3A_283, %add3A_277 : vector<16xf32>
      %broadcast_in_dim3A_285 = arith.constant 2.81145736E-15 : f32
      %broadcast_in_dim3A_286 = vector.broadcast %broadcast_in_dim3A_285 : f32 to vector<16xf32>
      %add3A_287 = arith.addf %mul3A_284, %broadcast_in_dim3A_286 : vector<16xf32>
      %mul3A_288 = arith.mulf %add3A_287, %add3A_277 : vector<16xf32>
      %broadcast_in_dim3A_289 = arith.constant -7.6471636E-13 : f32
      %broadcast_in_dim3A_290 = vector.broadcast %broadcast_in_dim3A_289 : f32 to vector<16xf32>
      %add3A_291 = arith.addf %mul3A_288, %broadcast_in_dim3A_290 : vector<16xf32>
      %mul3A_292 = arith.mulf %add3A_291, %add3A_277 : vector<16xf32>
      %broadcast_in_dim3A_293 = arith.constant 1.60590444E-10 : f32
      %broadcast_in_dim3A_294 = vector.broadcast %broadcast_in_dim3A_293 : f32 to vector<16xf32>
      %add3A_295 = arith.addf %mul3A_292, %broadcast_in_dim3A_294 : vector<16xf32>
      %mul3A_296 = arith.mulf %add3A_295, %add3A_277 : vector<16xf32>
      %broadcast_in_dim3A_297 = arith.constant -2.50521079E-8 : f32
      %broadcast_in_dim3A_298 = vector.broadcast %broadcast_in_dim3A_297 : f32 to vector<16xf32>
      %add3A_299 = arith.addf %mul3A_296, %broadcast_in_dim3A_298 : vector<16xf32>
      %mul3A_300 = arith.mulf %add3A_299, %add3A_277 : vector<16xf32>
      %broadcast_in_dim3A_301 = arith.constant 2.75573188E-6 : f32
      %broadcast_in_dim3A_302 = vector.broadcast %broadcast_in_dim3A_301 : f32 to vector<16xf32>
      %add3A_303 = arith.addf %mul3A_300, %broadcast_in_dim3A_302 : vector<16xf32>
      %mul3A_304 = arith.mulf %add3A_303, %add3A_277 : vector<16xf32>
      %broadcast_in_dim3A_305 = arith.constant -1.98412701E-4 : f32
      %broadcast_in_dim3A_306 = vector.broadcast %broadcast_in_dim3A_305 : f32 to vector<16xf32>
      %add3A_307 = arith.addf %mul3A_304, %broadcast_in_dim3A_306 : vector<16xf32>
      %mul3A_308 = arith.mulf %add3A_307, %add3A_277 : vector<16xf32>
      %broadcast_in_dim3A_309 = arith.constant 0.00833333377 : f32
      %broadcast_in_dim3A_310 = vector.broadcast %broadcast_in_dim3A_309 : f32 to vector<16xf32>
      %add3A_311 = arith.addf %mul3A_308, %broadcast_in_dim3A_310 : vector<16xf32>
      %mul3A_312 = arith.mulf %add3A_311, %add3A_277 : vector<16xf32>
      %broadcast_in_dim3A_313 = arith.constant -0.166666672 : f32
      %broadcast_in_dim3A_314 = vector.broadcast %broadcast_in_dim3A_313 : f32 to vector<16xf32>
      %add3A_315 = arith.addf %mul3A_312, %broadcast_in_dim3A_314 : vector<16xf32>
      %mul3A_316 = arith.mulf %add3A_315, %add3A_277 : vector<16xf32>
      %broadcast_in_dim3A_317 = arith.constant 1.000000e+00 : f32
      %broadcast_in_dim3A_318 = vector.broadcast %broadcast_in_dim3A_317 : f32 to vector<16xf32>
      %add3A_319 = arith.addf %mul3A_316, %broadcast_in_dim3A_318 : vector<16xf32>
      %broadcast_in_dim3A_320 = arith.constant 8.89679095E-22 : f32
      %broadcast_in_dim3A_321 = vector.broadcast %broadcast_in_dim3A_320 : f32 to vector<16xf32>
      %mul3A_322 = arith.mulf %broadcast_in_dim3A_321, %add3A_277 : vector<16xf32>
      %broadcast_in_dim3A_323 = arith.constant -4.11031759E-19 : f32
      %broadcast_in_dim3A_324 = vector.broadcast %broadcast_in_dim3A_323 : f32 to vector<16xf32>
      %add3A_325 = arith.addf %mul3A_322, %broadcast_in_dim3A_324 : vector<16xf32>
      %mul3A_326 = arith.mulf %add3A_325, %add3A_277 : vector<16xf32>
      %broadcast_in_dim3A_327 = arith.constant 1.56192068E-16 : f32
      %broadcast_in_dim3A_328 = vector.broadcast %broadcast_in_dim3A_327 : f32 to vector<16xf32>
      %add3A_329 = arith.addf %mul3A_326, %broadcast_in_dim3A_328 : vector<16xf32>
      %mul3A_330 = arith.mulf %add3A_329, %add3A_277 : vector<16xf32>
      %broadcast_in_dim3A_331 = arith.constant -4.77947726E-14 : f32
      %broadcast_in_dim3A_332 = vector.broadcast %broadcast_in_dim3A_331 : f32 to vector<16xf32>
      %add3A_333 = arith.addf %mul3A_330, %broadcast_in_dim3A_332 : vector<16xf32>
      %mul3A_334 = arith.mulf %add3A_333, %add3A_277 : vector<16xf32>
      %broadcast_in_dim3A_335 = arith.constant 1.14707454E-11 : f32
      %broadcast_in_dim3A_336 = vector.broadcast %broadcast_in_dim3A_335 : f32 to vector<16xf32>
      %add3A_337 = arith.addf %mul3A_334, %broadcast_in_dim3A_336 : vector<16xf32>
      %mul3A_338 = arith.mulf %add3A_337, %add3A_277 : vector<16xf32>
      %broadcast_in_dim3A_339 = arith.constant -2.08767559E-9 : f32
      %broadcast_in_dim3A_340 = vector.broadcast %broadcast_in_dim3A_339 : f32 to vector<16xf32>
      %add3A_341 = arith.addf %mul3A_338, %broadcast_in_dim3A_340 : vector<16xf32>
      %mul3A_342 = arith.mulf %add3A_341, %add3A_277 : vector<16xf32>
      %broadcast_in_dim3A_343 = arith.constant 2.755732E-7 : f32
      %broadcast_in_dim3A_344 = vector.broadcast %broadcast_in_dim3A_343 : f32 to vector<16xf32>
      %add3A_345 = arith.addf %mul3A_342, %broadcast_in_dim3A_344 : vector<16xf32>
      %mul3A_346 = arith.mulf %add3A_345, %add3A_277 : vector<16xf32>
      %broadcast_in_dim3A_347 = arith.constant -2.48015876E-5 : f32
      %broadcast_in_dim3A_348 = vector.broadcast %broadcast_in_dim3A_347 : f32 to vector<16xf32>
      %add3A_349 = arith.addf %mul3A_346, %broadcast_in_dim3A_348 : vector<16xf32>
      %mul3A_350 = arith.mulf %add3A_349, %add3A_277 : vector<16xf32>
      %broadcast_in_dim3A_351 = arith.constant 0.00138888892 : f32
      %broadcast_in_dim3A_352 = vector.broadcast %broadcast_in_dim3A_351 : f32 to vector<16xf32>
      %add3A_353 = arith.addf %mul3A_350, %broadcast_in_dim3A_352 : vector<16xf32>
      %mul3A_354 = arith.mulf %add3A_353, %add3A_277 : vector<16xf32>
      %broadcast_in_dim3A_355 = arith.constant -0.0416666679 : f32
      %broadcast_in_dim3A_356 = vector.broadcast %broadcast_in_dim3A_355 : f32 to vector<16xf32>
      %add3A_357 = arith.addf %mul3A_354, %broadcast_in_dim3A_356 : vector<16xf32>
      %mul3A_358 = arith.mulf %add3A_357, %add3A_277 : vector<16xf32>
      %broadcast_in_dim3A_359 = arith.constant 5.000000e-01 : f32
      %broadcast_in_dim3A_360 = vector.broadcast %broadcast_in_dim3A_359 : f32 to vector<16xf32>
      %add3A_361 = arith.addf %mul3A_358, %broadcast_in_dim3A_360 : vector<16xf32>
      %broadcast_in_dim3A_362 = arith.constant 3.8681703E-23 : f32
      %broadcast_in_dim3A_363 = vector.broadcast %broadcast_in_dim3A_362 : f32 to vector<16xf32>
      %mul3A_364 = arith.mulf %broadcast_in_dim3A_363, %add3A_277 : vector<16xf32>
      %broadcast_in_dim3A_365 = arith.constant -1.95729415E-20 : f32
      %broadcast_in_dim3A_366 = vector.broadcast %broadcast_in_dim3A_365 : f32 to vector<16xf32>
      %add3A_367 = arith.addf %mul3A_364, %broadcast_in_dim3A_366 : vector<16xf32>
      %mul3A_368 = arith.mulf %add3A_367, %add3A_277 : vector<16xf32>
      %broadcast_in_dim3A_369 = arith.constant 8.22063508E-18 : f32
      %broadcast_in_dim3A_370 = vector.broadcast %broadcast_in_dim3A_369 : f32 to vector<16xf32>
      %add3A_371 = arith.addf %mul3A_368, %broadcast_in_dim3A_370 : vector<16xf32>
      %mul3A_372 = arith.mulf %add3A_371, %add3A_277 : vector<16xf32>
      %broadcast_in_dim3A_373 = arith.constant -2.81145736E-15 : f32
      %broadcast_in_dim3A_374 = vector.broadcast %broadcast_in_dim3A_373 : f32 to vector<16xf32>
      %add3A_375 = arith.addf %mul3A_372, %broadcast_in_dim3A_374 : vector<16xf32>
      %mul3A_376 = arith.mulf %add3A_375, %add3A_277 : vector<16xf32>
      %broadcast_in_dim3A_377 = arith.constant 7.6471636E-13 : f32
      %broadcast_in_dim3A_378 = vector.broadcast %broadcast_in_dim3A_377 : f32 to vector<16xf32>
      %add3A_379 = arith.addf %mul3A_376, %broadcast_in_dim3A_378 : vector<16xf32>
      %mul3A_380 = arith.mulf %add3A_379, %add3A_277 : vector<16xf32>
      %broadcast_in_dim3A_381 = arith.constant -1.60590444E-10 : f32
      %broadcast_in_dim3A_382 = vector.broadcast %broadcast_in_dim3A_381 : f32 to vector<16xf32>
      %add3A_383 = arith.addf %mul3A_380, %broadcast_in_dim3A_382 : vector<16xf32>
      %mul3A_384 = arith.mulf %add3A_383, %add3A_277 : vector<16xf32>
      %broadcast_in_dim3A_385 = arith.constant 2.50521079E-8 : f32
      %broadcast_in_dim3A_386 = vector.broadcast %broadcast_in_dim3A_385 : f32 to vector<16xf32>
      %add3A_387 = arith.addf %mul3A_384, %broadcast_in_dim3A_386 : vector<16xf32>
      %mul3A_388 = arith.mulf %add3A_387, %add3A_277 : vector<16xf32>
      %broadcast_in_dim3A_389 = arith.constant -2.75573188E-6 : f32
      %broadcast_in_dim3A_390 = vector.broadcast %broadcast_in_dim3A_389 : f32 to vector<16xf32>
      %add3A_391 = arith.addf %mul3A_388, %broadcast_in_dim3A_390 : vector<16xf32>
      %mul3A_392 = arith.mulf %add3A_391, %add3A_277 : vector<16xf32>
      %broadcast_in_dim3A_393 = arith.constant 1.98412701E-4 : f32
      %broadcast_in_dim3A_394 = vector.broadcast %broadcast_in_dim3A_393 : f32 to vector<16xf32>
      %add3A_395 = arith.addf %mul3A_392, %broadcast_in_dim3A_394 : vector<16xf32>
      %mul3A_396 = arith.mulf %add3A_395, %add3A_277 : vector<16xf32>
      %broadcast_in_dim3A_397 = arith.constant -0.00833333377 : f32
      %broadcast_in_dim3A_398 = vector.broadcast %broadcast_in_dim3A_397 : f32 to vector<16xf32>
      %add3A_399 = arith.addf %mul3A_396, %broadcast_in_dim3A_398 : vector<16xf32>
      %mul3A_400 = arith.mulf %add3A_399, %add3A_277 : vector<16xf32>
      %broadcast_in_dim3A_401 = arith.constant 0.166666672 : f32
      %broadcast_in_dim3A_402 = vector.broadcast %broadcast_in_dim3A_401 : f32 to vector<16xf32>
      %add3A_403 = arith.addf %mul3A_400, %broadcast_in_dim3A_402 : vector<16xf32>
      %mul3A_404 = arith.mulf %gather3A, %gather3A : vector<16xf32>
      %mul3A_405 = arith.mulf %gather3A_260, %gather3A_260 : vector<16xf32>
      %mul3A_406 = arith.mulf %gather3A_263, %gather3A_263 : vector<16xf32>
      %mul3A_407 = arith.mulf %gather3A, %gather3A_260 : vector<16xf32>
      %mul3A_408 = arith.mulf %gather3A, %gather3A_263 : vector<16xf32>
      %mul3A_409 = arith.mulf %gather3A_260, %gather3A_263 : vector<16xf32>
      %sub3A = arith.subf %mul3A_404, %add3A_277 : vector<16xf32>
      %mul3A_410 = arith.mulf %add3A_361, %sub3A : vector<16xf32>
      %add3A_411 = arith.addf %broadcast_in_dim3A_243, %mul3A_410 : vector<16xf32>
      %mul3A_412 = arith.mulf %add3A_361, %mul3A_407 : vector<16xf32>
      %mul3A_413 = arith.mulf %add3A_319, %gather3A_263 : vector<16xf32>
      %sub3A_414 = arith.subf %mul3A_412, %mul3A_413 : vector<16xf32>
      %mul3A_415 = arith.mulf %add3A_361, %mul3A_408 : vector<16xf32>
      %mul3A_416 = arith.mulf %add3A_319, %gather3A_260 : vector<16xf32>
      %add3A_417 = arith.addf %mul3A_415, %mul3A_416 : vector<16xf32>
      %mul3A_418 = arith.mulf %add3A_361, %mul3A_407 : vector<16xf32>
      %mul3A_419 = arith.mulf %add3A_319, %gather3A_263 : vector<16xf32>
      %add3A_420 = arith.addf %mul3A_418, %mul3A_419 : vector<16xf32>
      %sub3A_421 = arith.subf %mul3A_405, %add3A_277 : vector<16xf32>
      %mul3A_422 = arith.mulf %add3A_361, %sub3A_421 : vector<16xf32>
      %add3A_423 = arith.addf %broadcast_in_dim3A_243, %mul3A_422 : vector<16xf32>
      %mul3A_424 = arith.mulf %add3A_361, %mul3A_409 : vector<16xf32>
      %mul3A_425 = arith.mulf %add3A_319, %gather3A : vector<16xf32>
      %sub3A_426 = arith.subf %mul3A_424, %mul3A_425 : vector<16xf32>
      %mul3A_427 = arith.mulf %add3A_361, %mul3A_408 : vector<16xf32>
      %mul3A_428 = arith.mulf %add3A_319, %gather3A_260 : vector<16xf32>
      %sub3A_429 = arith.subf %mul3A_427, %mul3A_428 : vector<16xf32>
      %mul3A_430 = arith.mulf %add3A_361, %mul3A_409 : vector<16xf32>
      %mul3A_431 = arith.mulf %add3A_319, %gather3A : vector<16xf32>
      %add3A_432 = arith.addf %mul3A_430, %mul3A_431 : vector<16xf32>
      %sub3A_433 = arith.subf %mul3A_406, %add3A_277 : vector<16xf32>
      %mul3A_434 = arith.mulf %add3A_361, %sub3A_433 : vector<16xf32>
      %add3A_435 = arith.addf %broadcast_in_dim3A_243, %mul3A_434 : vector<16xf32>
      %sub3A_436 = arith.subf %mul3A_404, %add3A_277 : vector<16xf32>
      %mul3A_437 = arith.mulf %add3A_403, %sub3A_436 : vector<16xf32>
      %add3A_438 = arith.addf %broadcast_in_dim3A_243, %mul3A_437 : vector<16xf32>
      %mul3A_439 = arith.mulf %add3A_403, %mul3A_407 : vector<16xf32>
      %mul3A_440 = arith.mulf %add3A_361, %gather3A_263 : vector<16xf32>
      %sub3A_441 = arith.subf %mul3A_439, %mul3A_440 : vector<16xf32>
      %mul3A_442 = arith.mulf %add3A_403, %mul3A_408 : vector<16xf32>
      %mul3A_443 = arith.mulf %add3A_361, %gather3A_260 : vector<16xf32>
      %add3A_444 = arith.addf %mul3A_442, %mul3A_443 : vector<16xf32>
      %mul3A_445 = arith.mulf %add3A_403, %mul3A_407 : vector<16xf32>
      %mul3A_446 = arith.mulf %add3A_361, %gather3A_263 : vector<16xf32>
      %add3A_447 = arith.addf %mul3A_445, %mul3A_446 : vector<16xf32>
      %sub3A_448 = arith.subf %mul3A_405, %add3A_277 : vector<16xf32>
      %mul3A_449 = arith.mulf %add3A_403, %sub3A_448 : vector<16xf32>
      %add3A_450 = arith.addf %broadcast_in_dim3A_243, %mul3A_449 : vector<16xf32>
      %mul3A_451 = arith.mulf %add3A_403, %mul3A_409 : vector<16xf32>
      %mul3A_452 = arith.mulf %add3A_361, %gather3A : vector<16xf32>
      %sub3A_453 = arith.subf %mul3A_451, %mul3A_452 : vector<16xf32>
      %mul3A_454 = arith.mulf %add3A_403, %mul3A_408 : vector<16xf32>
      %mul3A_455 = arith.mulf %add3A_361, %gather3A_260 : vector<16xf32>
      %sub3A_456 = arith.subf %mul3A_454, %mul3A_455 : vector<16xf32>
      %mul3A_457 = arith.mulf %add3A_403, %mul3A_409 : vector<16xf32>
      %mul3A_458 = arith.mulf %add3A_361, %gather3A : vector<16xf32>
      %add3A_459 = arith.addf %mul3A_457, %mul3A_458 : vector<16xf32>
      %sub3A_460 = arith.subf %mul3A_406, %add3A_277 : vector<16xf32>
      %mul3A_461 = arith.mulf %add3A_403, %sub3A_460 : vector<16xf32>
      %add3A_462 = arith.addf %broadcast_in_dim3A_243, %mul3A_461 : vector<16xf32>
      %mul3A_463 = arith.mulf %add3A_438, %gather3A_266 : vector<16xf32>
      %mul3A_464 = arith.mulf %sub3A_441, %gather3A_269 : vector<16xf32>
      %add3A_465 = arith.addf %mul3A_463, %mul3A_464 : vector<16xf32>
      %mul3A_466 = arith.mulf %add3A_444, %gather3A_272 : vector<16xf32>
      %add3A_467 = arith.addf %add3A_465, %mul3A_466 : vector<16xf32>
      %mul3A_468 = arith.mulf %add3A_447, %gather3A_266 : vector<16xf32>
      %mul3A_469 = arith.mulf %add3A_450, %gather3A_269 : vector<16xf32>
      %add3A_470 = arith.addf %mul3A_468, %mul3A_469 : vector<16xf32>
      %mul3A_471 = arith.mulf %sub3A_453, %gather3A_272 : vector<16xf32>
      %add3A_472 = arith.addf %add3A_470, %mul3A_471 : vector<16xf32>
      %mul3A_473 = arith.mulf %sub3A_456, %gather3A_266 : vector<16xf32>
      %mul3A_474 = arith.mulf %add3A_459, %gather3A_269 : vector<16xf32>
      %add3A_475 = arith.addf %mul3A_473, %mul3A_474 : vector<16xf32>
      %mul3A_476 = arith.mulf %add3A_462, %gather3A_272 : vector<16xf32>
      %add3A_477 = arith.addf %add3A_475, %mul3A_476 : vector<16xf32>
      %broadcast_in_dim3A_478 = arith.constant 0 : i32
      %broadcast_in_dim3A_479 = vector.broadcast %broadcast_in_dim3A_478 : i32 to vector<16xi32>
      %gather3A_480 = tpu.vector_load_idx %arg10[%add3A_255, %broadcast_in_dim3A_479] : memref<512x16xf32, #tpu.memory_space<vmem>>[vector<16xi32>, vector<16xi32>], vector<16xf32>,
      %broadcast_in_dim3A_481 = arith.constant 1 : i32
      %broadcast_in_dim3A_482 = vector.broadcast %broadcast_in_dim3A_481 : i32 to vector<16xi32>
      %gather3A_483 = tpu.vector_load_idx %arg10[%add3A_255, %broadcast_in_dim3A_482] : memref<512x16xf32, #tpu.memory_space<vmem>>[vector<16xi32>, vector<16xi32>], vector<16xf32>,
      %broadcast_in_dim3A_484 = arith.constant 2 : i32
      %broadcast_in_dim3A_485 = vector.broadcast %broadcast_in_dim3A_484 : i32 to vector<16xi32>
      %gather3A_486 = tpu.vector_load_idx %arg10[%add3A_255, %broadcast_in_dim3A_485] : memref<512x16xf32, #tpu.memory_space<vmem>>[vector<16xi32>, vector<16xi32>], vector<16xf32>,
      %broadcast_in_dim3A_487 = arith.constant 3 : i32
      %broadcast_in_dim3A_488 = vector.broadcast %broadcast_in_dim3A_487 : i32 to vector<16xi32>
      %gather3A_489 = tpu.vector_load_idx %arg10[%add3A_255, %broadcast_in_dim3A_488] : memref<512x16xf32, #tpu.memory_space<vmem>>[vector<16xi32>, vector<16xi32>], vector<16xf32>,
      %broadcast_in_dim3A_490 = arith.constant 4 : i32
      %broadcast_in_dim3A_491 = vector.broadcast %broadcast_in_dim3A_490 : i32 to vector<16xi32>
      %gather3A_492 = tpu.vector_load_idx %arg10[%add3A_255, %broadcast_in_dim3A_491] : memref<512x16xf32, #tpu.memory_space<vmem>>[vector<16xi32>, vector<16xi32>], vector<16xf32>,
      %broadcast_in_dim3A_493 = arith.constant 5 : i32
      %broadcast_in_dim3A_494 = vector.broadcast %broadcast_in_dim3A_493 : i32 to vector<16xi32>
      %gather3A_495 = tpu.vector_load_idx %arg10[%add3A_255, %broadcast_in_dim3A_494] : memref<512x16xf32, #tpu.memory_space<vmem>>[vector<16xi32>, vector<16xi32>], vector<16xf32>,
      %broadcast_in_dim3A_496 = arith.constant 6 : i32
      %broadcast_in_dim3A_497 = vector.broadcast %broadcast_in_dim3A_496 : i32 to vector<16xi32>
      %gather3A_498 = tpu.vector_load_idx %arg10[%add3A_255, %broadcast_in_dim3A_497] : memref<512x16xf32, #tpu.memory_space<vmem>>[vector<16xi32>, vector<16xi32>], vector<16xf32>,
      %broadcast_in_dim3A_499 = arith.constant 7 : i32
      %broadcast_in_dim3A_500 = vector.broadcast %broadcast_in_dim3A_499 : i32 to vector<16xi32>
      %gather3A_501 = tpu.vector_load_idx %arg10[%add3A_255, %broadcast_in_dim3A_500] : memref<512x16xf32, #tpu.memory_space<vmem>>[vector<16xi32>, vector<16xi32>], vector<16xf32>,
      %broadcast_in_dim3A_502 = arith.constant 8 : i32
      %broadcast_in_dim3A_503 = vector.broadcast %broadcast_in_dim3A_502 : i32 to vector<16xi32>
      %gather3A_504 = tpu.vector_load_idx %arg10[%add3A_255, %broadcast_in_dim3A_503] : memref<512x16xf32, #tpu.memory_space<vmem>>[vector<16xi32>, vector<16xi32>], vector<16xf32>,
      %broadcast_in_dim3A_505 = arith.constant 9 : i32
      %broadcast_in_dim3A_506 = vector.broadcast %broadcast_in_dim3A_505 : i32 to vector<16xi32>
      %gather3A_507 = tpu.vector_load_idx %arg10[%add3A_255, %broadcast_in_dim3A_506] : memref<512x16xf32, #tpu.memory_space<vmem>>[vector<16xi32>, vector<16xi32>], vector<16xf32>,
      %broadcast_in_dim3A_508 = arith.constant 10 : i32
      %broadcast_in_dim3A_509 = vector.broadcast %broadcast_in_dim3A_508 : i32 to vector<16xi32>
      %gather3A_510 = tpu.vector_load_idx %arg10[%add3A_255, %broadcast_in_dim3A_509] : memref<512x16xf32, #tpu.memory_space<vmem>>[vector<16xi32>, vector<16xi32>], vector<16xf32>,
      %broadcast_in_dim3A_511 = arith.constant 11 : i32
      %broadcast_in_dim3A_512 = vector.broadcast %broadcast_in_dim3A_511 : i32 to vector<16xi32>
      %gather3A_513 = tpu.vector_load_idx %arg10[%add3A_255, %broadcast_in_dim3A_512] : memref<512x16xf32, #tpu.memory_space<vmem>>[vector<16xi32>, vector<16xi32>], vector<16xf32>,
      %mul3A_514 = arith.mulf %gather3A_480, %add3A_411 : vector<16xf32>
      %mul3A_515 = arith.mulf %gather3A_483, %add3A_420 : vector<16xf32>
      %add3A_516 = arith.addf %mul3A_514, %mul3A_515 : vector<16xf32>
      %mul3A_517 = arith.mulf %gather3A_486, %sub3A_429 : vector<16xf32>
      %add3A_518 = arith.addf %add3A_516, %mul3A_517 : vector<16xf32>
      %mul3A_519 = arith.mulf %gather3A_480, %sub3A_414 : vector<16xf32>
      %mul3A_520 = arith.mulf %gather3A_483, %add3A_423 : vector<16xf32>
      %add3A_521 = arith.addf %mul3A_519, %mul3A_520 : vector<16xf32>
      %mul3A_522 = arith.mulf %gather3A_486, %add3A_432 : vector<16xf32>
      %add3A_523 = arith.addf %add3A_521, %mul3A_522 : vector<16xf32>
      %mul3A_524 = arith.mulf %gather3A_480, %add3A_417 : vector<16xf32>
      %mul3A_525 = arith.mulf %gather3A_483, %sub3A_426 : vector<16xf32>
      %add3A_526 = arith.addf %mul3A_524, %mul3A_525 : vector<16xf32>
      %mul3A_527 = arith.mulf %gather3A_486, %add3A_435 : vector<16xf32>
      %add3A_528 = arith.addf %add3A_526, %mul3A_527 : vector<16xf32>
      %mul3A_529 = arith.mulf %gather3A_480, %add3A_467 : vector<16xf32>
      %mul3A_530 = arith.mulf %gather3A_483, %add3A_472 : vector<16xf32>
      %add3A_531 = arith.addf %mul3A_529, %mul3A_530 : vector<16xf32>
      %mul3A_532 = arith.mulf %gather3A_486, %add3A_477 : vector<16xf32>
      %add3A_533 = arith.addf %add3A_531, %mul3A_532 : vector<16xf32>
      %add3A_534 = arith.addf %add3A_533, %gather3A_489 : vector<16xf32>
      %mul3A_535 = arith.mulf %gather3A_492, %add3A_411 : vector<16xf32>
      %mul3A_536 = arith.mulf %gather3A_495, %add3A_420 : vector<16xf32>
      %add3A_537 = arith.addf %mul3A_535, %mul3A_536 : vector<16xf32>
      %mul3A_538 = arith.mulf %gather3A_498, %sub3A_429 : vector<16xf32>
      %add3A_539 = arith.addf %add3A_537, %mul3A_538 : vector<16xf32>
      %mul3A_540 = arith.mulf %gather3A_492, %sub3A_414 : vector<16xf32>
      %mul3A_541 = arith.mulf %gather3A_495, %add3A_423 : vector<16xf32>
      %add3A_542 = arith.addf %mul3A_540, %mul3A_541 : vector<16xf32>
      %mul3A_543 = arith.mulf %gather3A_498, %add3A_432 : vector<16xf32>
      %add3A_544 = arith.addf %add3A_542, %mul3A_543 : vector<16xf32>
      %mul3A_545 = arith.mulf %gather3A_492, %add3A_417 : vector<16xf32>
      %mul3A_546 = arith.mulf %gather3A_495, %sub3A_426 : vector<16xf32>
      %add3A_547 = arith.addf %mul3A_545, %mul3A_546 : vector<16xf32>
      %mul3A_548 = arith.mulf %gather3A_498, %add3A_435 : vector<16xf32>
      %add3A_549 = arith.addf %add3A_547, %mul3A_548 : vector<16xf32>
      %mul3A_550 = arith.mulf %gather3A_492, %add3A_467 : vector<16xf32>
      %mul3A_551 = arith.mulf %gather3A_495, %add3A_472 : vector<16xf32>
      %add3A_552 = arith.addf %mul3A_550, %mul3A_551 : vector<16xf32>
      %mul3A_553 = arith.mulf %gather3A_498, %add3A_477 : vector<16xf32>
      %add3A_554 = arith.addf %add3A_552, %mul3A_553 : vector<16xf32>
      %add3A_555 = arith.addf %add3A_554, %gather3A_501 : vector<16xf32>
      %mul3A_556 = arith.mulf %gather3A_504, %add3A_411 : vector<16xf32>
      %mul3A_557 = arith.mulf %gather3A_507, %add3A_420 : vector<16xf32>
      %add3A_558 = arith.addf %mul3A_556, %mul3A_557 : vector<16xf32>
      %mul3A_559 = arith.mulf %gather3A_510, %sub3A_429 : vector<16xf32>
      %add3A_560 = arith.addf %add3A_558, %mul3A_559 : vector<16xf32>
      %mul3A_561 = arith.mulf %gather3A_504, %sub3A_414 : vector<16xf32>
      %mul3A_562 = arith.mulf %gather3A_507, %add3A_423 : vector<16xf32>
      %add3A_563 = arith.addf %mul3A_561, %mul3A_562 : vector<16xf32>
      %mul3A_564 = arith.mulf %gather3A_510, %add3A_432 : vector<16xf32>
      %add3A_565 = arith.addf %add3A_563, %mul3A_564 : vector<16xf32>
      %mul3A_566 = arith.mulf %gather3A_504, %add3A_417 : vector<16xf32>
      %mul3A_567 = arith.mulf %gather3A_507, %sub3A_426 : vector<16xf32>
      %add3A_568 = arith.addf %mul3A_566, %mul3A_567 : vector<16xf32>
      %mul3A_569 = arith.mulf %gather3A_510, %add3A_435 : vector<16xf32>
      %add3A_570 = arith.addf %add3A_568, %mul3A_569 : vector<16xf32>
      %mul3A_571 = arith.mulf %gather3A_504, %add3A_467 : vector<16xf32>
      %mul3A_572 = arith.mulf %gather3A_507, %add3A_472 : vector<16xf32>
      %add3A_573 = arith.addf %mul3A_571, %mul3A_572 : vector<16xf32>
      %mul3A_574 = arith.mulf %gather3A_510, %add3A_477 : vector<16xf32>
      %add3A_575 = arith.addf %add3A_573, %mul3A_574 : vector<16xf32>
      %add3A_576 = arith.addf %add3A_575, %gather3A_513 : vector<16xf32>
      %mul3A_577 = arith.constant 12 : i32
      %mul3A_578 = vector.broadcast %mul3A_577 : i32 to vector<16xi32>
      %mul3A_579 = arith.muli %add3A_255, %mul3A_578 : vector<16xi32>
      %add3A_580 = arith.constant 0 : i32
      %add3A_581 = vector.broadcast %add3A_580 : i32 to vector<16xi32>
      %add3A_582 = arith.addi %mul3A_579, %add3A_581 : vector<16xi32>
      tpu.vector_store_idx %arg11[%add3A_582], %add3A_518 : memref<6144xf32, #tpu.memory_space<vmem>>[vector<16xi32>], vector<16xf32>,
      %add3A_583 = arith.constant 1 : i32
      %add3A_584 = vector.broadcast %add3A_583 : i32 to vector<16xi32>
      %add3A_585 = arith.addi %mul3A_579, %add3A_584 : vector<16xi32>
      tpu.vector_store_idx %arg11[%add3A_585], %add3A_523 : memref<6144xf32, #tpu.memory_space<vmem>>[vector<16xi32>], vector<16xf32>,
      %add3A_586 = arith.constant 2 : i32
      %add3A_587 = vector.broadcast %add3A_586 : i32 to vector<16xi32>
      %add3A_588 = arith.addi %mul3A_579, %add3A_587 : vector<16xi32>
      tpu.vector_store_idx %arg11[%add3A_588], %add3A_528 : memref<6144xf32, #tpu.memory_space<vmem>>[vector<16xi32>], vector<16xf32>,
      %add3A_589 = arith.constant 3 : i32
      %add3A_590 = vector.broadcast %add3A_589 : i32 to vector<16xi32>
      %add3A_591 = arith.addi %mul3A_579, %add3A_590 : vector<16xi32>
      tpu.vector_store_idx %arg11[%add3A_591], %add3A_534 : memref<6144xf32, #tpu.memory_space<vmem>>[vector<16xi32>], vector<16xf32>,
      %add3A_592 = arith.constant 4 : i32
      %add3A_593 = vector.broadcast %add3A_592 : i32 to vector<16xi32>
      %add3A_594 = arith.addi %mul3A_579, %add3A_593 : vector<16xi32>
      tpu.vector_store_idx %arg11[%add3A_594], %add3A_539 : memref<6144xf32, #tpu.memory_space<vmem>>[vector<16xi32>], vector<16xf32>,
      %add3A_595 = arith.constant 5 : i32
      %add3A_596 = vector.broadcast %add3A_595 : i32 to vector<16xi32>
      %add3A_597 = arith.addi %mul3A_579, %add3A_596 : vector<16xi32>
      tpu.vector_store_idx %arg11[%add3A_597], %add3A_544 : memref<6144xf32, #tpu.memory_space<vmem>>[vector<16xi32>], vector<16xf32>,
      %add3A_598 = arith.constant 6 : i32
      %add3A_599 = vector.broadcast %add3A_598 : i32 to vector<16xi32>
      %add3A_600 = arith.addi %mul3A_579, %add3A_599 : vector<16xi32>
      tpu.vector_store_idx %arg11[%add3A_600], %add3A_549 : memref<6144xf32, #tpu.memory_space<vmem>>[vector<16xi32>], vector<16xf32>,
      %add3A_601 = arith.constant 7 : i32
      %add3A_602 = vector.broadcast %add3A_601 : i32 to vector<16xi32>
      %add3A_603 = arith.addi %mul3A_579, %add3A_602 : vector<16xi32>
      tpu.vector_store_idx %arg11[%add3A_603], %add3A_555 : memref<6144xf32, #tpu.memory_space<vmem>>[vector<16xi32>], vector<16xf32>,
      %add3A_604 = arith.constant 8 : i32
      %add3A_605 = vector.broadcast %add3A_604 : i32 to vector<16xi32>
      %add3A_606 = arith.addi %mul3A_579, %add3A_605 : vector<16xi32>
      tpu.vector_store_idx %arg11[%add3A_606], %add3A_560 : memref<6144xf32, #tpu.memory_space<vmem>>[vector<16xi32>], vector<16xf32>,
      %add3A_607 = arith.constant 9 : i32
      %add3A_608 = vector.broadcast %add3A_607 : i32 to vector<16xi32>
      %add3A_609 = arith.addi %mul3A_579, %add3A_608 : vector<16xi32>
      tpu.vector_store_idx %arg11[%add3A_609], %add3A_565 : memref<6144xf32, #tpu.memory_space<vmem>>[vector<16xi32>], vector<16xf32>,
      %add3A_610 = arith.constant 10 : i32
      %add3A_611 = vector.broadcast %add3A_610 : i32 to vector<16xi32>
      %add3A_612 = arith.addi %mul3A_579, %add3A_611 : vector<16xi32>
      tpu.vector_store_idx %arg11[%add3A_612], %add3A_570 : memref<6144xf32, #tpu.memory_space<vmem>>[vector<16xi32>], vector<16xf32>,
      %add3A_613 = arith.constant 11 : i32
      %add3A_614 = vector.broadcast %add3A_613 : i32 to vector<16xi32>
      %add3A_615 = arith.addi %mul3A_579, %add3A_614 : vector<16xi32>
      tpu.vector_store_idx %arg11[%add3A_615], %add3A_576 : memref<6144xf32, #tpu.memory_space<vmem>>[vector<16xi32>], vector<16xf32>,
    }
    %scan3A_248 = arith.constant 32 : i32
    %mul3A_249 = arith.constant 12 : i32
    %mul3A_250 = arith.muli %mul3A_2, %mul3A_249 : i32
    "tpu.region"() ({
      %run_scoped3A = tpu.sem_alloc : memref<!tpu.dma_semaphore, #tpu.memory_space<semaphore_mem>>
      %dma_start3A_251 = tpu.memref_slice %arg6[%mul3A_250] : memref<196608xf32, #tpu.memory_space<hbm>> -> memref<6144xf32, #tpu.memory_space<hbm>>
      %dma_start3A_252 = tpu.memref_slice %arg6[%mul3A_250] : memref<196608xf32, #tpu.memory_space<hbm>> -> memref<6144xf32, #tpu.memory_space<hbm>>
      tpu.enqueue_dma source(%arg11 : memref<6144xf32, #tpu.memory_space<vmem>>) target(%dma_start3A_252 : memref<6144xf32, #tpu.memory_space<hbm>>) target_semaphore(%run_scoped3A : memref<!tpu.dma_semaphore, #tpu.memory_space<semaphore_mem>>)
      %dma_wait3A_253 = tpu.memref_slice %arg6[%mul3A_250] : memref<196608xf32, #tpu.memory_space<hbm>> -> memref<6144xf32, #tpu.memory_space<hbm>>
      %dma_wait3A_254 = tpu.memref_slice %arg6[%mul3A_250] : memref<196608xf32, #tpu.memory_space<hbm>> -> memref<6144xf32, #tpu.memory_space<hbm>>
      tpu.wait_dma2 semaphore(%run_scoped3A : memref<!tpu.dma_semaphore, #tpu.memory_space<semaphore_mem>>) src(%arg11 : memref<6144xf32, #tpu.memory_space<vmem>>) dst(%dma_wait3A_254 : memref<6144xf32, #tpu.memory_space<hbm>>)
      tpu.yield
    }) : () -> ()
    return
  }
}

</mosaic_0001>

<sc_bundles>
// kernel: kernel.3.cloned.1.call-start
scs
__scs_entry_jumppad:
0x0: {  	(pc) =	sbr.rel $0x88, $3  }
0x1: {  	(tag) =	ssettag $0x0;
	lr =	simm.s32 $0x1  }
0x2: {  	[smem:$0x3F9D] =	sst lr;
	_ =	strace $0xD0000000  }
0x3: {  	_ = 	snop  }
0x4: {  	_ = 	snop  }
0x5: {  	_ = 	snop  }
0x6: {  	_ = 	snop  }
0x7: {  	_ = 	snop  }
__scs_overlays_trampoline_lowered:
0x8: {  	[smem:$0x3FAC] =	sst s0  }
0x9: {  	[smem:$0x3FAD] =	sst s1  }
0xa: {  	[smem:$0x3FAE] =	sst s2  }
0xb: {  	[smem:$0x3FAF] =	sst s3  }
0xc: {  	[smem:$0x3FB0] =	sst s4  }
0xd: {  	[smem:$0x3FB1] =	sst s5  }
0xe: {  	[smem:$0x3FB2] =	sst s6  }
0xf: {  	[smem:$0x3FB3] =	sst s7  }
0x10: {  	[smem:$0x3FB4] =	sst s8  }
0x11: {  	[smem:$0x3FB5] =	sst s9;
	s0 =	simm.s32 @!p0 $0x0  }
0x12: {  	s1 =	sld [smem:$0x3F9B];
	s0 =	simm.s32 @p0 $0x1  }
0x13: {  	[smem:$0x3FB6] =	sst s0;
	s0 =	simm.s32 @!p1 $0x0  }
0x14: {  	s2 =	sld [smem:$0x3F9A];
	s0 =	simm.s32 @p1 $0x1  }
0x15: {  	[smem:$0x3FB7] =	sst s0;
	s0 =	simm.s32 @!p2 $0x0  }
0x16: {  	s3 =	sld [smem:$0x3FDB];
	s0 =	simm.s32 @p2 $0x1  }
0x17: {  	s4 =	simm.s32 $0x1BF5;
	[smem:$0x3FB9] =	sst s0  }
0x18: {  	s0 =	sld [smem:$0x3F9C];
	_ =	swait.ge [sflag:s4], $0x0  }
0x19: {  	s7 =	sld [smem:$0x3F9D]  }
0x1a: {  	s8 =	sadd.s32 $0xFFFFE003, lr  }
0x1b: {  	s9 =	sadd.s32 $0xFFFFFEF7, lr;
	s5 =	simm.s32 $0xFFFFFFFF;
	p2 =	slt.u32 s8, $0xFFFFF086  }
0x1c: {  	p1 =	slt.u32 s9, $0xF7A;
	s5 =	simm.s32 @!p2 $0x0  }
0x1d: {  	s5 =	simm.s32 @p1 $0x1;
	p0 =	seq.s32 s7, s2  }
0x1e: {  	s7 =	smul.u32 @!p0 $0xF7A, s2;
	p2 =	seq.s32 @!p0 s5, $0x0  }
0x1f: {  	s9 =	smul.u32 $0xF7A, s1;
	s8 =	simm.s32 @!p0 $0x1BF5;
	p2 =	por !p2, p0  }
0x20: {  	[sflag:s8] =	ssyncset.s32 @!p0 $0xFFFFF086;
	s6 =	sadd.s32 @!p0 s3, s7;
	s7 =	simm.s32 @!p0 $0x108  }
0x21: {  	s3 =	sadd.s32 s3, s9;
	s6 =	sadd.s32 @!p0 $0x88, s6;
	s7 =	simm.s32 @p2 $0x1082  }
0x22: {  	[simem:s7], [sflag:s8] =	dma.local @!p0 [hbm:s6], $0xF7A  }
0x23: {  	s9 =	sor.u32 $0xD0000000, s2;
	s6 =	simm.s32 $0x108;
	_ =	swait.ge @!p0 [sflag:s8], $0x0  }
0x24: {  	s3 =	sadd.s32 $0x88, s3;
	s6 =	simm.s32 @!p1 $0x1082;
	[sflag:s4] =	ssyncset.s32 $0xFFFFF086  }
0x25: {  	[simem:s6], [sflag:s4] =	dma.local [hbm:s3], $0xF7A  }
0x26: {  	[smem:$0x3F9D] =	sst s1;
	(tag) =	ssettag s2;
	_ =	strace s9  }
0x27: {  	s1 =	sld [smem:$0x3FAD]  }
0x28: {  	s2 =	sld [smem:$0x3FAE]  }
0x29: {  	s4 =	sld [smem:$0x3FB0]  }
0x2a: {  	p0 =	seq.s32 s5, $0x0;
	s5 =	sld [smem:$0x3FB1]  }
0x2b: {  	s6 =	sld [smem:$0x3FB2]  }
0x2c: {  	s7 =	sld [smem:$0x3FB3]  }
0x2d: {  	s3 =	simm.s32 $0x108;
	s8 =	sld [smem:$0x3FB4]  }
0x2e: {  	s3 =	simm.s32 @!p0 $0x1082;
	s9 =	sld [smem:$0x3FB5]  }
0x2f: {  	lr =	sadd.s32 s0, s3;
	s0 =	sld [smem:$0x3FAC]  }
0x30: {  	s3 =	sld [smem:$0x3FAF]  }
0x31: {  	[smem:$0x3FB8] =	sst s10  }
0x32: {  	s10 =	sld [smem:$0x3FB6];
	_ =	sdelay $0x3  }
0x33: {  	p0 =	seq.s32 s10, $0x1;
	s10 =	sld [smem:$0x3FB8];
	_ =	sdelay $0x3  }
0x34: {  	[smem:$0x3FB8] =	sst s10  }
0x35: {  	s10 =	sld [smem:$0x3FB7];
	_ =	sdelay $0x3  }
0x36: {  	p1 =	seq.s32 s10, $0x1;
	s10 =	sld [smem:$0x3FB8];
	_ =	sdelay $0x3  }
0x37: {  	[smem:$0x3FB8] =	sst s10  }
0x38: {  	s10 =	sld [smem:$0x3FB9]  }
0x39: {  	_ = 	snop;
	(pc) =	sbr.ind lr, $3  }
0x3a: {  	_ = 	snop  }
0x3b: {  	_ = 	snop  }
0x3c: {  	p2 =	seq.s32 s10, $0x1;
	s10 =	sld [smem:$0x3FB8]  }
0x3d: {  	_ =	shalt  }
0x3e: {  	_ =	shalt  }
0x3f: {  	_ =	shalt  }
0x40: {  	_ =	shalt  }
0x41: {  	_ =	shalt  }
0x42: {  	_ =	shalt  }
0x43: {  	_ =	shalt  }
0x44: {  	_ =	shalt  }
0x45: {  	_ =	shalt  }
0x46: {  	_ =	shalt  }
0x47: {  	_ =	shalt  }
0x48: {  	_ =	shalt  }
0x49: {  	_ =	shalt  }
0x4a: {  	_ =	shalt  }
0x4b: {  	_ =	shalt  }
0x4c: {  	_ =	shalt  }
0x4d: {  	_ =	shalt  }
0x4e: {  	_ =	shalt  }
0x4f: {  	_ =	shalt  }
0x50: {  	_ =	shalt  }
0x51: {  	_ =	shalt  }
0x52: {  	_ =	shalt  }
0x53: {  	_ =	shalt  }
0x54: {  	_ =	shalt  }
0x55: {  	_ =	shalt  }
0x56: {  	_ =	shalt  }
0x57: {  	_ =	shalt  }
0x58: {  	_ =	shalt  }
0x59: {  	_ =	shalt  }
0x5a: {  	_ =	shalt  }
0x5b: {  	_ =	shalt  }
0x5c: {  	_ =	shalt  }
0x5d: {  	_ =	shalt  }
0x5e: {  	_ =	shalt  }
0x5f: {  	_ =	shalt  }
0x60: {  	_ =	shalt  }
0x61: {  	_ =	shalt  }
0x62: {  	_ =	shalt  }
0x63: {  	_ =	shalt  }
0x64: {  	_ =	shalt  }
0x65: {  	_ =	shalt  }
0x66: {  	_ =	shalt  }
0x67: {  	_ =	shalt  }
0x68: {  	_ =	shalt  }
0x69: {  	_ =	shalt  }
0x6a: {  	_ =	shalt  }
0x6b: {  	_ =	shalt  }
0x6c: {  	_ =	shalt  }
0x6d: {  	_ =	shalt  }
0x6e: {  	_ =	shalt  }
0x6f: {  	_ =	shalt  }
0x70: {  	_ =	shalt  }
0x71: {  	_ =	shalt  }
0x72: {  	_ =	shalt  }
0x73: {  	_ =	shalt  }
0x74: {  	_ =	shalt  }
0x75: {  	_ =	shalt  }
0x76: {  	_ =	shalt  }
0x77: {  	_ =	shalt  }
0x78: {  	_ =	shalt  }
0x79: {  	_ =	shalt  }
0x7a: {  	_ =	shalt  }
0x7b: {  	_ =	shalt  }
0x7c: {  	_ =	shalt  }
0x7d: {  	_ =	shalt  }
0x7e: {  	_ =	shalt  }
0x7f: {  	_ =	shalt  }
0x80: {  	_ =	shalt  }
0x81: {  	_ =	shalt  }
0x82: {  	_ =	shalt  }
0x83: {  	_ =	shalt  }
0x84: {  	_ =	shalt  }
0x85: {  	_ =	shalt  }
0x86: {  	_ =	shalt  }
0x87: {  	_ =	shalt  }
.Lfunc_end0:
.L_simem_size_0:
called_computation_lowered:
.L_overlay_start_0:
0x88: {  	s2 =	sld [smem:$0x3FD9]  }
0x89: {  	s3 =	sld [smem:$0x3FFE];
	_ =	sdelay $0x1  }
0x8a: {  	s1 =	srdreg.scid  }
0x8b: {  	s0 =	sand.u32 $0x1, s1  }
0x8c: {  	s17 =	sshll.u32 s0, $0xA;
	s2 =	sadd.s32 s3, s2  }
0x8d: {  	s2 =	sadd.s32 s2, s17  }
0x8e: {  	[smem:$0x3FC4] =	sst s2  }
0x8f: {  	_ = 	snop  }
0x90: {  	s2 =	sld [smem:$0x3FC7]  }
0x91: {  	s18 =	sld [smem:$0x3FC6]  }
0x92: {  	s4 =	sld [smem:$0x3FD0];
	(tm) =	ssettm $0x1  }
0x93: {  	s5 =	sld [smem:$0x3FFB];
	_ =	sdelay $0x3  }
0x94: {  	_ =	strace s5  }
0x95: {  	s5 =	sld [smem:$0x3FFC];
	_ =	sdelay $0x3  }
0x96: {  	_ =	strace s5  }
0x97: {  	s5 =	sld [smem:$0x3FFD];
	_ =	sdelay $0x3  }
0x98: {  	_ =	strace s5  }
0x99: {  	_ =	strace $0x8FFFFFFF  }
0x9a: {  	s19 =	sld [smem:$0x3FDB];
	_ =	sdelay $0x1  }
0x9b: {  	s6 =	simm.s32 $_scs_section_size  }
0x9c: {  	s7 =	simm.s32 $_size__tile_overlayer_lowered;
	s8 =	simm.s32 $_tile_overlayer_lowered  }
0x9d: {  	s22 =	simm.s32 $0x1BFF;
	s21 =	sshll.u32 s8, $0x1;
	s5 =	sadd.s32 s6, s19  }
0x9e: {  	s9 =	simm.s32 $0x0;
	s20 =	sshll.u32 s7, $0x1;
	s7 =	sadd.s32 s21, s5  }
0x9f: {  	[timem:s9], [sflag:s22] =	dma.local [hbm:s7], s20  }
0xa0: {  	_ =	swait.ge [sflag:s22], s20  }
0xa1: {  	s6 =	ssub.s32 $0x0, s20;
	[sflag:s22] =	ssyncset.done $0x0  }
0xa2: {  	[sflag:s22] =	ssyncadd.s32 s6;
	_ =	sdelay $0x1  }
0xa3: {  	s23 =	simm.s32 $0x1B8B  }
0xa4: {  	_ =	swait.ge [sflag:s23], $0x1  }
0xa5: {  	[sflag:s23] =	ssyncset.done $0x0  }
0xa6: {  	s25 =	simm.s32 $0x1B8E;
	s24 =	sld [smem:$0x3FFE];
	[sflag:s23] =	ssyncadd.s32 $0xFFFFFFFF  }
0xa7: {  	s26 =	simm.s32 $execute0_lowered;
	[smem:$0x3FD2] =	sst s25  }
0xa8: {  	s7 =	sshll.u32 s26, $0x1;
	_ =	strace $0x80000046;
	[dreg:$0x1] =	wrdreg $0xFFFFFFFF  }
0xa9: {  	s28 =	simm.s32 $_size_execute0_lowered;
	s5 =	sadd.s32 s5, s7;
	[dreg:$0x0] =	wrdreg $0x0  }
0xaa: {  	s7 =	sshll.u32 s28, $0x1;
	[dreg:$0x2] =	wrdreg s5  }
0xab: {  	[dreg:$0x3] =	wrdreg s7  }
0xac: {  	[dreg:$0x4] =	wrdreg $0xC0  }
0xad: {  	_ =	task [dreg:s9], $0x5FFFF  }
0xae: {  	[dreg:$0x1] =	wrdreg $0xFFFFFFFF  }
0xaf: {  	[dreg:$0x0] =	wrdreg $0x60  }
0xb0: {  	[dreg:$0x2] =	wrdreg s24  }
0xb1: {  	[dreg:$0x3] =	wrdreg s2  }
0xb2: {  	[dreg:$0x4] =	wrdreg s18  }
0xb3: {  	[dreg:$0x5] =	wrdreg s4  }
0xb4: {  	[dreg:$0x6] =	wrdreg $0x9  }
0xb5: {  	_ =	task.clear_ibuf [dreg:s9], $0x7FFFF;
	_ =	strace $0x90000046  }
0xb6: {  	s29 =	simm.s32 $0x9;
	_ =	strace $0x80000048  }
0xb7: {  	_ =	swait.ge [sflag:s29], $0x1  }
0xb8: {  	[sflag:s29] =	ssyncadd.s32 $0xFFFFFFFF  }
0xb9: {  	_ =	strace $0x90000048  }
0xba: {  	_ =	sfence  }
0xbb: {  	s30 =	sld [smem:$0x0];
	_ =	sdelay $0x2  }
0xbc: {  	s31 =	sshll.u32 s1, $0xD;
	s1 =	sshrl.u32 s1, $0x2  }
0xbd: {  	s3 =	sand.u32 $0x4000, s31;
	s1 =	sadd.s32 s1, s30  }
0xbe: {  	s0 =	sor.u32 s3, s0;
	s1 =	sshll.u32 s1, $0x11  }
0xbf: {  	s0 =	sor.u32 s1, s0  }
0xc0: {  	s0 =	sadd.s32 $0x8F2B, s0  }
0xc1: {  	[sflag:s0] =	ssyncadd.remote.s32 $0x1  }
0xc2: {  	_ =	sfence.sel $0xFFFF  }
0xc3: {  	[dreg:$0x0] =	wrdreg $0xFFFFFFFF;
	(pc) =	sbr.abs _section_cstart, $3  }
0xc4: {  	[dreg:$0x1] =	wrdreg $0xFFFFFFFF  }
0xc5: {  	_ =	task.clear_ibuf [dreg:s9], $0x2FFFF;
	_ =	strace $0x9FFFFFFF  }
0xc6: {  	(tm) =	ssettm $0x7FFFFFFF  }
0xc7: {  	_ =	shalt  }
tec
execute0_lowered:
.L_overlay_start_1:
0x0: {  	(tag) =	ssettag $0x1  }
0x1: {  	s0 =	rddreg [dreg:$0x0]  }
0x2: {  	s1 =	rddreg [dreg:$0x1]  }
0x3: {  	s6 =	rddreg [dreg:$0x2]  }
0x4: {  	s7 =	rddreg [dreg:$0x3]  }
0x5: {  	s3 =	simm.s32 $0x0;
	s4 =	srdreg.scid;
	s2 =	stileid.u32  }
0x6: {  	s12 =	simm.s32 $0x200;
	s13 =	simm.s32 $0x800;
	s14 =	simm.s32 $0x280  }
0x7: {  	s15 =	simm.s32 $0x100;
	s16 =	simm.s32 $0xC00;
	s17 =	simm.s32 $0x300  }
0x8: {  	s18 =	simm.s32 $0x180;
	s19 =	simm.s32 $0x1000;
	s20 =	simm.s32 $0x380  }
0x9: {  	s21 =	simm.s32 $0x2;
	s22 =	simm.s32 $0x1400;
	s23 =	simm.s32 $0x1C00  }
0xa: {  	s24 =	simm.s32 $0x2400;
	s25 =	simm.s32 $0x2C00;
	s28 =	simm.s32 $0x3  }
0xb: {  	s29 =	simm.s32 $0x3400;
	s30 =	simm.s32 $0x0;
	[smem:$0x7FF] =	sst s3  }
0xc: {  	s4 =	sand.u32 $0x1, s4;
	s5 =	sshll.u32 s2, $0x1;
	_ =	strace $0x80000047  }
0xd: {  	s8 =	ssub.s32 $0x2, s4;
	s9 =	sor.u32 s4, s5;
	s4 =	sadd.s32 $0xC00, s0  }
0xe: {  	s5 =	sadd.s32 $0x19400, s0;
	s10 =	sshrl.u32 s8, $0x1;
	s11 =	smul.u32 $0x300, s9  }
0xf: {  	s31 =	sshll.u32 s9, $0x6;
	s9 =	simm.s32 $0x4;
	s26 =	ssub.s32 s8, s10  }
0x10: {  	s6 =	sadd.s32 s6, s31;
	s10 =	simm.s32 $0x80;
	s7 =	sadd.s32 s7, s11  }
0x11: {  	v0 =	vlaneseq.u32;
	s8 =	smax.u32 s26, $0x1;
	s11 =	simm.s32 $0x400;
	s26 =	simm.s32 $0x1  }
.LBB2_1:
0x12: {  	[tilespmem:s3], [sflag:$0x4] =	stream.linear.gather [hbm4b:s6+s3], $0x200, $0x38;
	[tilespmem:$0x4C00] =	vst v63  }
0x13: {  	_ =	swait.ge [sflag:s9], $0x200  }
0x14: {  	[sflag:s9] =	ssyncset.done $0x0  }
0x15: {  	[sflag:s9] =	ssyncadd.s32 $0xFFFFFE00  }
0x16: {  	[tilespmem:s11], [sflag:$0x1] =	stream.indirect.gather [hbm4b:s4+s10], $0x8, s3, s10, $0xb8;
	[tilespmem:$0x4C00] =	vst v63  }
0x17: {  	_ = 	snop  }
0x18: {  	[tilespmem:s12], [sflag:$0x2] =	stream.indirect.gather [hbm4b:s1+s10], $0x1, s3, s10, $0xb8;
	[tilespmem:$0x4C00] =	vst v63  }
0x19: {  	_ = 	snop  }
0x1a: {  	[tilespmem:s13], [sflag:$0x1] =	stream.indirect.gather [hbm4b:s4+s10], $0x8, s10, s10, $0xb8;
	[tilespmem:$0x4C00] =	vst v63  }
0x1b: {  	_ = 	snop  }
0x1c: {  	[tilespmem:s14], [sflag:$0x2] =	stream.indirect.gather [hbm4b:s1+s10], $0x1, s10, s10, $0xb8;
	[tilespmem:$0x4C00] =	vst v63  }
0x1d: {  	_ = 	snop  }
0x1e: {  	[tilespmem:s16], [sflag:$0x1] =	stream.indirect.gather [hbm4b:s4+s10], $0x8, s15, s10, $0xb8;
	[tilespmem:$0x4C00] =	vst v63  }
0x1f: {  	_ = 	snop  }
0x20: {  	[tilespmem:s17], [sflag:$0x2] =	stream.indirect.gather [hbm4b:s1+s10], $0x1, s15, s10, $0xb8;
	[tilespmem:$0x4C00] =	vst v63  }
0x21: {  	_ = 	snop  }
0x22: {  	[tilespmem:s19], [sflag:$0x1] =	stream.indirect.gather [hbm4b:s4+s10], $0x8, s18, s10, $0xb8;
	[tilespmem:$0x4C00] =	vst v63  }
0x23: {  	_ = 	snop  }
0x24: {  	[tilespmem:s20], [sflag:$0x2] =	stream.indirect.gather [hbm4b:s1+s10], $0x1, s18, s10, $0xb8;
	[tilespmem:$0x4C00] =	vst v63  }
0x25: {  	_ =	swait.ge [sflag:s21], $0x80  }
0x26: {  	[sflag:s21] =	ssyncset.done $0x0  }
0x27: {  	[sflag:s21] =	ssyncadd.s32 $0xFFFFFF80  }
0x28: {  	_ =	swait.ge [sflag:s21], $0x80  }
0x29: {  	[sflag:s21] =	ssyncset.done $0x0  }
0x2a: {  	[sflag:s21] =	ssyncadd.s32 $0xFFFFFF80  }
0x2b: {  	_ =	swait.ge [sflag:s21], $0x80  }
0x2c: {  	[sflag:s21] =	ssyncset.done $0x0  }
0x2d: {  	[sflag:s21] =	ssyncadd.s32 $0xFFFFFF80  }
0x2e: {  	_ =	swait.ge [sflag:s21], $0x80  }
0x2f: {  	[sflag:s21] =	ssyncset.done $0x0  }
0x30: {  	[sflag:s21] =	ssyncadd.s32 $0xFFFFFF80  }
0x31: {  	[tilespmem:s22], [sflag:$0x3] =	stream.indirect.gather [hbm4b:s5+s10], $0x10, s12, s10, $0xb8;
	[tilespmem:$0x4C00] =	vst v63  }
0x32: {  	_ = 	snop  }
0x33: {  	[tilespmem:s23], [sflag:$0x3] =	stream.indirect.gather [hbm4b:s5+s10], $0x10, s14, s10, $0xb8;
	[tilespmem:$0x4C00] =	vst v63  }
0x34: {  	_ = 	snop  }
0x35: {  	[tilespmem:s24], [sflag:$0x3] =	stream.indirect.gather [hbm4b:s5+s10], $0x10, s17, s10, $0xb8;
	[tilespmem:$0x4C00] =	vst v63  }
0x36: {  	_ = 	snop  }
0x37: {  	[tilespmem:s25], [sflag:$0x3] =	stream.indirect.gather [hbm4b:s5+s10], $0x10, s20, s10, $0xb8;
	[tilespmem:$0x4C00] =	vst v63  }
0x38: {  	_ =	swait.ge [sflag:s26], $0x400  }
0x39: {  	[sflag:s26] =	ssyncset.done $0x0  }
0x3a: {  	[sflag:s26] =	ssyncadd.s32 $0xFFFFFC00  }
0x3b: {  	_ =	swait.ge [sflag:s26], $0x400  }
0x3c: {  	[sflag:s26] =	ssyncset.done $0x0  }
0x3d: {  	[sflag:s26] =	ssyncadd.s32 $0xFFFFFC00  }
0x3e: {  	_ =	swait.ge [sflag:s26], $0x400  }
0x3f: {  	[sflag:s26] =	ssyncset.done $0x0  }
0x40: {  	[sflag:s26] =	ssyncadd.s32 $0xFFFFFC00  }
0x41: {  	_ =	swait.ge [sflag:s26], $0x400  }
0x42: {  	[sflag:s26] =	ssyncset.done $0x0  }
0x43: {  	[sflag:s26] =	ssyncadd.s32 $0xFFFFFC00  }
0x44: {  	_ =	swait.ge [sflag:s28], $0x800  }
0x45: {  	[sflag:s28] =	ssyncset.done $0x0  }
0x46: {  	[sflag:s28] =	ssyncadd.s32 $0xFFFFF800  }
0x47: {  	_ =	swait.ge [sflag:s28], $0x800  }
0x48: {  	[sflag:s28] =	ssyncset.done $0x0  }
0x49: {  	[sflag:s28] =	ssyncadd.s32 $0xFFFFF800  }
0x4a: {  	v1 =	vor.u32 s3, v0;
	_ =	swait.ge [sflag:s28], $0x800  }
0x4b: {  	v2 =	vshll.u32 v1, $0x3;
	[sflag:s28] =	ssyncset.done $0x0  }
0x4c: {  	v3 =	vor.u32 $0x1, v2;
	[sflag:s28] =	ssyncadd.s32 $0xFFFFF800  }
0x4d: {  	_ =	swait.ge [sflag:s28], $0x800  }
0x4e: {  	v4 =	vor.u32 $0x2, v2;
	[sflag:s28] =	ssyncset.done $0x0  }
0x4f: {  	[sflag:s28] =	ssyncadd.s32 $0xFFFFF800  }
0x50: {  	v13 =	vld.idx.msk [tilespmem:v2+s11+$0x0], $0xffff  }
0x51: {  	v3 =	vld.idx.msk [tilespmem:v3+s11+$0x0], $0xffff;
	_ =	sdelay $0x1  }
0x52: {  	v17 =	vld.idx.msk [tilespmem:v4+s11+$0x0], $0xffff;
	_ =	sdelay $0x2  }
0x53: {  	v5 =	vmul.f32 v13, v13;
	v6 =	vmul.f32 v3, v3;
	_ =	sdelay $0x1  }
0x54: {  	v7 =	vmul.f32 v17, v17;
	v4 =	vadd.f32 v6, v5;
	_ =	sdelay $0x1  }
0x55: {  	v8 =	vadd.f32 v7, v4;
	_ =	sdelay $0x1  }
0x56: {  	v4 =	vmul.f32 $8.896790950e-22, v8  }
0x57: {  	v9 =	vmul.f32 $3.868170300e-23, v8  }
0x58: {  	v4 =	vadd.f32 $-4.110317590e-19, v4  }
0x59: {  	v10 =	vmul.f32 $1.957294150e-20, v8;
	v9 =	vadd.f32 $-1.957294150e-20, v9  }
0x5a: {  	v4 =	vmul.f32 v4, v8  }
0x5b: {  	v10 =	vadd.f32 $-8.220635080e-18, v10;
	v9 =	vmul.f32 v9, v8  }
0x5c: {  	v4 =	vadd.f32 $1.561920680e-16, v4  }
0x5d: {  	v10 =	vmul.f32 v10, v8;
	v9 =	vadd.f32 $8.220635080e-18, v9  }
0x5e: {  	v4 =	vmul.f32 v4, v8  }
0x5f: {  	v10 =	vadd.f32 $2.811457360e-15, v10;
	v9 =	vmul.f32 v9, v8  }
0x60: {  	v4 =	vadd.f32 $-4.779477260e-14, v4  }
0x61: {  	v10 =	vmul.f32 v10, v8;
	v9 =	vadd.f32 $-2.811457360e-15, v9  }
0x62: {  	v4 =	vmul.f32 v4, v8  }
0x63: {  	v10 =	vadd.f32 $-7.647163600e-13, v10;
	v9 =	vmul.f32 v9, v8  }
0x64: {  	v4 =	vadd.f32 $1.147074540e-11, v4  }
0x65: {  	v10 =	vmul.f32 v10, v8;
	v9 =	vadd.f32 $7.647163600e-13, v9  }
0x66: {  	v4 =	vmul.f32 v4, v8  }
0x67: {  	v10 =	vadd.f32 $1.605904440e-10, v10;
	v9 =	vmul.f32 v9, v8  }
0x68: {  	v4 =	vadd.f32 $-2.087675590e-09, v4  }
0x69: {  	v10 =	vmul.f32 v10, v8;
	v9 =	vadd.f32 $-1.605904440e-10, v9  }
0x6a: {  	v4 =	vmul.f32 v4, v8  }
0x6b: {  	v10 =	vadd.f32 $-2.505210790e-08, v10;
	v9 =	vmul.f32 v9, v8  }
0x6c: {  	v4 =	vadd.f32 $2.755732000e-07, v4  }
0x6d: {  	v10 =	vmul.f32 v10, v8;
	v9 =	vadd.f32 $2.505210790e-08, v9  }
0x6e: {  	v4 =	vmul.f32 v4, v8  }
0x6f: {  	v10 =	vadd.f32 $2.755731880e-06, v10;
	v9 =	vmul.f32 v9, v8  }
0x70: {  	v4 =	vadd.f32 $-2.480158760e-05, v4  }
0x71: {  	v10 =	vmul.f32 v10, v8;
	v9 =	vadd.f32 $-2.755731880e-06, v9  }
0x72: {  	v4 =	vmul.f32 v4, v8  }
0x73: {  	v10 =	vadd.f32 $-1.984127010e-04, v10;
	v9 =	vmul.f32 v9, v8  }
0x74: {  	v12 =	vshll.u32 v1, $0x4;
	v4 =	vadd.f32 $1.388888920e-03, v4  }
0x75: {  	v11 =	vor.u32 $0x3, v2;
	v10 =	vmul.f32 v10, v8;
	v9 =	vadd.f32 $1.984127010e-04, v9  }
0x76: {  	v14 =	vor.u32 $0x2, v12;
	v18 =	vor.u32 $0x4, v2;
	v4 =	vmul.f32 v4, v8  }
0x77: {  	v19 =	vor.u32 $0x5, v2;
	v2 =	vadd.f32 $8.333333770e-03, v10;
	v9 =	vmul.f32 v9, v8  }
0x78: {  	v15 =	vor.u32 $0x6, v12;
	v16 =	vor.u32 $0xA, v12;
	v22 =	vadd.f32 $-4.166666790e-02, v4  }
0x79: {  	v20 =	vor.u32 $0x9, v12;
	v10 =	vmul.f32 v2, v8;
	v9 =	vadd.f32 $-8.333333770e-03, v9  }
0x7a: {  	v21 =	vor.u32 $0x1, v12;
	v25 =	vor.u32 $0x4, v12;
	v22 =	vmul.f32 v22, v8  }
0x7b: {  	v24 =	vsub.f32 v5, v8;
	v10 =	vadd.f32 $-1.666666720e-01, v10;
	v9 =	vmul.f32 v9, v8  }
0x7c: {  	v29 =	vmul.f32 v3, v13;
	v27 =	vsub.f32 v7, v8;
	v28 =	vadd.f32 $5.000000000e-01, v22  }
0x7d: {  	v30 =	vld.idx.msk [tilespmem:v11+s11+$0x0], $0xffff;
	v10 =	vmul.f32 v10, v8;
	v9 =	vadd.f32 $1.666666720e-01, v9;
	v22 =	vmul.f32 v17, v3  }
0x7e: {  	v11 =	vmul.f32 v17, v13;
	v7 =	vld.idx.msk [tilespmem:v15+s22+$0x0], $0xffff;
	v15 =	vsub.f32 v6, v8;
	v8 =	vmul.f32 v28, v27  }
0x7f: {  	v33 =	vadd.f32 $1.000000000e+00, v10;
	v31 =	vmul.f32 v9, v24;
	v32 =	vmul.f32 v28, v22  }
0x80: {  	v23 =	vor.u32 $0x5, v12;
	v6 =	vld.idx.msk [tilespmem:v16+s22+$0x0], $0xffff;
	v34 =	vmul.f32 v28, v17;
	v16 =	vmul.f32 v28, v15  }
0x81: {  	v26 =	vor.u32 $0x8, v12;
	v35 =	vmul.f32 v9, v11;
	v36 =	vmul.f32 v33, v13  }
0x82: {  	v5 =	vor.u32 $0xB, v12;
	v38 =	vmul.f32 v9, v22;
	v39 =	vmul.f32 v28, v11  }
0x83: {  	v41 =	vld.idx.msk [tilespmem:v19+s11+$0x0], $0xffff;
	v2 =	vor.u32 $0x3, v12;
	v19 =	vmul.f32 v9, v27;
	v27 =	vmul.f32 v9, v29  }
0x84: {  	v44 =	vld.idx.msk [tilespmem:v18+s11+$0x0], $0xffff;
	v4 =	vor.u32 $0x7, v12;
	v15 =	vmul.f32 v9, v15;
	v42 =	vmul.f32 v33, v3  }
0x85: {  	v10 =	vld.idx.msk [tilespmem:v14+s22+$0x0], $0xffff;
	v55 =	vmul.f32 v28, v3;
	v31 =	vadd.f32 $1.000000000e+00, v31;
	v8 =	vadd.f32 $1.000000000e+00, v8  }
0x86: {  	v14 =	vld.idx.msk [tilespmem:v20+s22+$0x0], $0xffff;
	v37 =	vmul.f32 v28, v24;
	v43 =	vadd.f32 $1.000000000e+00, v16;
	v3 =	vadd.f32 $1.000000000e+00, v19  }
0x87: {  	v18 =	vld.idx.msk [tilespmem:v25+s22+$0x0], $0xffff;
	v45 =	vmul.f32 v28, v29;
	v15 =	vadd.f32 $1.000000000e+00, v15;
	v19 =	vadd.f32 v34, v27  }
0x88: {  	v13 =	vmul.f32 v28, v13;
	v25 =	vsub.f32 v35, v55;
	v16 =	vld.idx.msk [tilespmem:v26+s22+$0x0], $0xffff;
	v26 =	vadd.f32 v42, v39  }
0x89: {  	v23 =	vld.idx.msk [tilespmem:v23+s22+$0x0], $0xffff;
	v37 =	vadd.f32 $1.000000000e+00, v37;
	v40 =	vmul.f32 v31, v30;
	v11 =	vmul.f32 v8, v7  }
0x8a: {  	v22 =	vld.idx.msk [tilespmem:v21+s22+$0x0], $0xffff;
	v35 =	vadd.f32 v55, v35;
	v20 =	vmul.f32 v8, v10;
	v24 =	vmul.f32 v3, v41  }
0x8b: {  	v21 =	vld.idx.msk [tilespmem:v12+s22+$0x0], $0xffff;
	v27 =	vsub.f32 v27, v34;
	v12 =	vmul.f32 v43, v14;
	v46 =	vmul.f32 v15, v44  }
0x8c: {  	v62 =	vsub.f32 v38, v13;
	v47 =	vmul.f32 v19, v30;
	v29 =	vmul.f32 v25, v30  }
0x8d: {  	v60 =	vadd.f32 v13, v38;
	v30 =	vmul.f32 v33, v17;
	v34 =	vmul.f32 v35, v41  }
0x8e: {  	v28 =	vmul.f32 v27, v44;
	v27 =	vsub.f32 v39, v42;
	v42 =	vmul.f32 v62, v41  }
0x8f: {  	v31 =	vadd.f32 v36, v32;
	v41 =	vmul.f32 v60, v44;
	v35 =	vmul.f32 v43, v23  }
0x90: {  	v32 =	vsub.f32 v32, v36;
	v49 =	vmul.f32 v43, v22;
	v56 =	vmul.f32 v26, v21  }
0x91: {  	v57 =	vmul.f32 v37, v21;
	v9 =	vmul.f32 v31, v6  }
0x92: {  	v15 =	vmul.f32 v31, v7;
	v19 =	vmul.f32 v32, v14  }
0x93: {  	v1 =	vmul.u32 $0xC, v1;
	v48 =	vmul.f32 v32, v22;
	v25 =	vmul.f32 v32, v23  }
0x94: {  	v36 =	vmul.f32 v31, v10;
	v31 =	vmul.f32 v37, v18;
	v58 =	vadd.f32 v30, v45  }
0x95: {  	v30 =	vsub.f32 v45, v30;
	v39 =	vadd.f32 v28, v40;
	v40 =	vmul.f32 v27, v10  }
0x96: {  	v33 =	vmul.f32 v27, v7;
	v17 =	vmul.f32 v26, v16  }
0x97: {  	v3 =	vand.u32 $0x1FFC, v1;
	v59 =	vmul.f32 v37, v16;
	v50 =	vmul.f32 v30, v21  }
0x98: {  	v32 =	vadd.f32 v46, v47;
	v61 =	vmul.f32 v58, v14;
	v63 =	vmul.f32 v58, v22  }
0x99: {  	v37 =	vadd.f32 v48, v56;
	v38 =	vmul.f32 v58, v23;
	v44 =	vadd.f32 v49, v50  }
0x9a: {  	s31 =	simm.s32 $0x10;
	v28 =	vmul.f32 v30, v16;
	v13 =	vadd.f32 v61, v59;
	v43 =	vadd.f32 v63, v57  }
.LBB2_2:
0x9b: {  	p0 =	sne.s32 s31, $0x1F0;
	v32 =	vadd.f32 v32, v42;
	v36 =	vadd.f32 v44, v36;
	v42 =	vor.u32 $0x2, v1;
	s0 =	smov.u32 s31;
	s31 =	sadd.s32 $0x10, s31  }
0x9c: {  	v29 =	vadd.f32 v41, v29;
	v41 =	vor.u32 $0x1, v1;
	v40 =	vadd.f32 v43, v40  }
0x9d: {  	v20 =	vadd.f32 v37, v20;
	v22 =	vmul.f32 v32, v22;
	v23 =	vmul.f32 v32, v23  }
0x9e: {  	v34 =	vadd.f32 v39, v34;
	v31 =	vadd.f32 v38, v31;
	v14 =	vmul.f32 v32, v14;
	v5 =	vld.idx.msk [tilespmem:v5+s22+$0x0], $0xffff  }
0x9f: {  	v26 =	vmul.f32 v26, v18;
	v24 =	vadd.f32 v29, v24;
	v29 =	vadd.s32 $0x7, v1;
	v4 =	vld.idx.msk [tilespmem:v4+s22+$0x0], $0xffff  }
0xa0: {  	v30 =	vmul.f32 v30, v18;
	v21 =	vmul.f32 v34, v21;
	v32 =	vadd.s32 $0x6, v1;
	v2 =	vld.idx.msk [tilespmem:v2+s22+$0x0], $0xffff  }
0xa1: {  	v25 =	vadd.f32 v25, v26;
	v26 =	vadd.s32 $0x5, v1;
	v10 =	vmul.f32 v24, v10;
	[tilespmem:v1+s29+$0x0] =	vst.idx.msk $0xffff, v40  }
0xa2: {  	v21 =	vadd.f32 v22, v21;
	v22 =	vadd.f32 v35, v30;
	v30 =	vadd.s32 $0x4, v1;
	[tilespmem:v41+s29+$0x0] =	vst.idx.msk $0xffff, v36  }
0xa3: {  	v31 =	vadd.f32 v31, v33;
	v18 =	vmul.f32 v34, v18;
	[tilespmem:v42+s29+$0x0] =	vst.idx.msk $0xffff, v20;
	v20 =	vor.u32 $0x3, v1  }
0xa4: {  	v17 =	vadd.f32 v19, v17;
	v10 =	vadd.f32 v21, v10;
	v21 =	vmul.f32 v27, v6  }
0xa5: {  	v16 =	vmul.f32 v34, v16;
	v11 =	vadd.f32 v25, v11;
	v18 =	vadd.f32 v23, v18  }
0xa6: {  	v12 =	vadd.f32 v12, v28;
	v7 =	vmul.f32 v24, v7;
	v15 =	vadd.f32 v22, v15  }
0xa7: {  	v8 =	vmul.f32 v8, v6;
	v2 =	vadd.f32 v10, v2;
	v10 =	vadd.f32 v13, v21  }
0xa8: {  	v9 =	vadd.f32 v12, v9;
	v7 =	vadd.f32 v18, v7;
	v6 =	vmul.f32 v24, v6  }
0xa9: {  	v8 =	vadd.f32 v17, v8;
	v12 =	vadd.f32 v14, v16;
	[tilespmem:v20+s29+$0x0] =	vst.idx.msk $0xffff, v2;
	v2 =	vadd.s32 $0x8, v3  }
0xaa: {  	v3 =	vadd.s32 $0x9, v1;
	[tilespmem:v30+s29+$0x0] =	vst.idx.msk $0xffff, v31  }
0xab: {  	v6 =	vadd.f32 v12, v6;
	v4 =	vadd.f32 v7, v4;
	v7 =	vadd.s32 $0xA, v1;
	[tilespmem:v26+s29+$0x0] =	vst.idx.msk $0xffff, v15  }
0xac: {  	v1 =	vadd.s32 $0xB, v1;
	[tilespmem:v32+s29+$0x0] =	vst.idx.msk $0xffff, v11  }
0xad: {  	[tilespmem:v29+s29+$0x0] =	vst.idx.msk $0xffff, v4  }
0xae: {  	v17 =	vor.u32 s0, v0;
	[tilespmem:v2+s29+$0x0] =	vst.idx.msk $0xffff, v10  }
0xaf: {  	v12 =	vshll.u32 v17, $0x4;
	v4 =	vadd.f32 v6, v5;
	v2 =	vshll.u32 v17, $0x3;
	[tilespmem:v3+s29+$0x0] =	vst.idx.msk $0xffff, v9  }
0xb0: {  	v3 =	vor.u32 $0x1, v2;
	v21 =	vor.u32 $0x2, v2;
	v10 =	vor.u32 $0x3, v2;
	[tilespmem:v7+s29+$0x0] =	vst.idx.msk $0xffff, v8  }
0xb1: {  	v6 =	vor.u32 $0xA, v12;
	v8 =	vor.u32 $0x2, v12;
	v7 =	vor.u32 $0x6, v12;
	[tilespmem:v1+s29+$0x0] =	vst.idx.msk $0xffff, v4  }
0xb2: {  	v14 =	vor.u32 $0x9, v12;
	v11 =	vor.u32 $0x4, v2;
	v20 =	vor.u32 $0x5, v2  }
0xb3: {  	v18 =	vor.u32 $0x5, v12;
	v15 =	vor.u32 $0x4, v12;
	v9 =	vor.u32 $0x1, v12  }
0xb4: {  	v16 =	vor.u32 $0x8, v12;
	v4 =	vor.u32 $0x7, v12;
	v13 =	vld.idx.msk [tilespmem:v2+s11+$0x0], $0xffff;
	v2 =	vor.u32 $0x3, v12  }
0xb5: {  	v5 =	vor.u32 $0xB, v12;
	v1 =	vmul.u32 $0xC, v17;
	v19 =	vld.idx.msk [tilespmem:v3+s11+$0x0], $0xffff;
	_ =	sdelay $0x1  }
0xb6: {  	v3 =	vand.u32 $0x1FFC, v1;
	v17 =	vld.idx.msk [tilespmem:v21+s11+$0x0], $0xffff;
	_ =	sdelay $0x3  }
0xb7: {  	v21 =	vmul.f32 v13, v13;
	v22 =	vmul.f32 v19, v19;
	_ =	sdelay $0x1  }
0xb8: {  	v23 =	vadd.f32 v22, v21;
	v24 =	vmul.f32 v17, v17;
	_ =	sdelay $0x1  }
0xb9: {  	v23 =	vadd.f32 v24, v23;
	_ =	sdelay $0x1  }
0xba: {  	v25 =	vmul.f32 $8.896790950e-22, v23;
	v26 =	vmul.f32 $3.868170300e-23, v23  }
0xbb: {  	v27 =	vmul.f32 $1.957294150e-20, v23  }
0xbc: {  	v25 =	vadd.f32 $-4.110317590e-19, v25;
	v26 =	vadd.f32 $-1.957294150e-20, v26  }
0xbd: {  	v27 =	vadd.f32 $-8.220635080e-18, v27  }
0xbe: {  	v25 =	vmul.f32 v25, v23;
	v26 =	vmul.f32 v26, v23  }
0xbf: {  	v27 =	vmul.f32 v27, v23  }
0xc0: {  	v25 =	vadd.f32 $1.561920680e-16, v25;
	v26 =	vadd.f32 $8.220635080e-18, v26  }
0xc1: {  	v27 =	vadd.f32 $2.811457360e-15, v27  }
0xc2: {  	v25 =	vmul.f32 v25, v23;
	v26 =	vmul.f32 v26, v23  }
0xc3: {  	v27 =	vmul.f32 v27, v23  }
0xc4: {  	v25 =	vadd.f32 $-4.779477260e-14, v25;
	v26 =	vadd.f32 $-2.811457360e-15, v26  }
0xc5: {  	v27 =	vadd.f32 $-7.647163600e-13, v27  }
0xc6: {  	v25 =	vmul.f32 v25, v23;
	v26 =	vmul.f32 v26, v23  }
0xc7: {  	v27 =	vmul.f32 v27, v23  }
0xc8: {  	v25 =	vadd.f32 $1.147074540e-11, v25;
	v26 =	vadd.f32 $7.647163600e-13, v26  }
0xc9: {  	v27 =	vadd.f32 $1.605904440e-10, v27  }
0xca: {  	v25 =	vmul.f32 v25, v23;
	v26 =	vmul.f32 v26, v23  }
0xcb: {  	v27 =	vmul.f32 v27, v23  }
0xcc: {  	v25 =	vadd.f32 $-2.087675590e-09, v25;
	v26 =	vadd.f32 $-1.605904440e-10, v26  }
0xcd: {  	v27 =	vadd.f32 $-2.505210790e-08, v27  }
0xce: {  	v25 =	vmul.f32 v25, v23;
	v26 =	vmul.f32 v26, v23  }
0xcf: {  	v27 =	vmul.f32 v27, v23  }
0xd0: {  	v25 =	vadd.f32 $2.755732000e-07, v25;
	v26 =	vadd.f32 $2.505210790e-08, v26  }
0xd1: {  	v27 =	vadd.f32 $2.755731880e-06, v27  }
0xd2: {  	v25 =	vmul.f32 v25, v23;
	v26 =	vmul.f32 v26, v23  }
0xd3: {  	v27 =	vmul.f32 v27, v23  }
0xd4: {  	v25 =	vadd.f32 $-2.480158760e-05, v25;
	v26 =	vadd.f32 $-2.755731880e-06, v26  }
0xd5: {  	v27 =	vadd.f32 $-1.984127010e-04, v27  }
0xd6: {  	v25 =	vmul.f32 v25, v23;
	v26 =	vmul.f32 v26, v23  }
0xd7: {  	v27 =	vmul.f32 v27, v23  }
0xd8: {  	v25 =	vadd.f32 $1.388888920e-03, v25;
	v26 =	vadd.f32 $1.984127010e-04, v26  }
0xd9: {  	v27 =	vadd.f32 $8.333333770e-03, v27  }
0xda: {  	v25 =	vmul.f32 v25, v23;
	v26 =	vmul.f32 v26, v23  }
0xdb: {  	v27 =	vmul.f32 v27, v23  }
0xdc: {  	v25 =	vadd.f32 $-4.166666790e-02, v25;
	v26 =	vadd.f32 $-8.333333770e-03, v26  }
0xdd: {  	v27 =	vadd.f32 $-1.666666720e-01, v27  }
0xde: {  	v25 =	vmul.f32 v25, v23;
	v26 =	vmul.f32 v26, v23  }
0xdf: {  	v21 =	vsub.f32 v21, v23;
	v24 =	vsub.f32 v24, v23;
	v27 =	vmul.f32 v27, v23  }
0xe0: {  	v30 =	vadd.f32 $5.000000000e-01, v25;
	v25 =	vadd.f32 $1.666666720e-01, v26;
	v26 =	vmul.f32 v19, v13;
	v28 =	vld.idx.msk [tilespmem:v10+s11+$0x0], $0xffff  }
0xe1: {  	v29 =	vmul.f32 v17, v13;
	v31 =	vmul.f32 v17, v19;
	v27 =	vadd.f32 $1.000000000e+00, v27;
	v7 =	vld.idx.msk [tilespmem:v7+s22+$0x0], $0xffff  }
0xe2: {  	v22 =	vsub.f32 v22, v23;
	v23 =	vmul.f32 v30, v24;
	v32 =	vmul.f32 v25, v21;
	v10 =	vld.idx.msk [tilespmem:v8+s22+$0x0], $0xffff  }
0xe3: {  	v33 =	vmul.f32 v30, v31;
	v34 =	vmul.f32 v30, v17;
	v6 =	vld.idx.msk [tilespmem:v6+s22+$0x0], $0xffff  }
0xe4: {  	v35 =	vmul.f32 v30, v22;
	v36 =	vmul.f32 v25, v29;
	v32 =	vadd.f32 $1.000000000e+00, v32  }
0xe5: {  	v37 =	vmul.f32 v27, v13;
	v38 =	vmul.f32 v25, v31;
	v8 =	vadd.f32 $1.000000000e+00, v23;
	v14 =	vld.idx.msk [tilespmem:v14+s22+$0x0], $0xffff  }
0xe6: {  	v39 =	vmul.f32 v30, v29;
	v35 =	vadd.f32 $1.000000000e+00, v35;
	v41 =	vmul.f32 v32, v28;
	v40 =	vld.idx.msk [tilespmem:v20+s11+$0x0], $0xffff  }
0xe7: {  	v31 =	vadd.f32 v37, v33;
	v23 =	vmul.f32 v25, v24;
	v43 =	vld.idx.msk [tilespmem:v11+s11+$0x0], $0xffff;
	v11 =	vmul.f32 v8, v7  }
0xe8: {  	v33 =	vsub.f32 v33, v37;
	v37 =	vmul.f32 v25, v26;
	v20 =	vmul.f32 v8, v10  }
0xe9: {  	v24 =	vmul.f32 v25, v22;
	v22 =	vld.idx.msk [tilespmem:v9+s22+$0x0], $0xffff;
	v9 =	vmul.f32 v31, v6  }
0xea: {  	v42 =	vmul.f32 v27, v19;
	v44 =	vmul.f32 v30, v19;
	v19 =	vadd.f32 $1.000000000e+00, v23;
	v23 =	vld.idx.msk [tilespmem:v18+s22+$0x0], $0xffff  }
0xeb: {  	v45 =	vmul.f32 v30, v26;
	v25 =	vmul.f32 v30, v21;
	v26 =	vadd.f32 $1.000000000e+00, v24;
	v21 =	vld.idx.msk [tilespmem:v12+s22+$0x0], $0xffff  }
0xec: {  	v29 =	vadd.f32 v34, v37;
	v24 =	vmul.f32 v19, v40;
	v12 =	vmul.f32 v35, v14;
	v18 =	vld.idx.msk [tilespmem:v15+s22+$0x0], $0xffff  }
0xed: {  	v32 =	vsub.f32 v36, v44;
	v46 =	vmul.f32 v26, v43;
	v15 =	vmul.f32 v31, v7;
	v16 =	vld.idx.msk [tilespmem:v16+s22+$0x0], $0xffff  }
0xee: {  	v47 =	vmul.f32 v29, v28;
	v19 =	vmul.f32 v33, v14;
	v26 =	vadd.f32 v42, v39  }
0xef: {  	v48 =	vadd.f32 $1.000000000e+00, v25;
	v29 =	vmul.f32 v32, v28;
	v28 =	vmul.f32 v33, v22  }
0xf0: {  	v32 =	vadd.f32 v46, v47;
	v46 =	vmul.f32 v35, v22;
	v25 =	vmul.f32 v33, v23  }
0xf1: {  	v27 =	vmul.f32 v27, v17;
	v33 =	vsub.f32 v37, v34;
	v37 =	vmul.f32 v26, v21  }
0xf2: {  	v34 =	vadd.f32 v44, v36;
	v36 =	vmul.f32 v31, v10;
	v31 =	vmul.f32 v48, v18  }
0xf3: {  	v47 =	vmul.f32 v48, v21;
	v17 =	vmul.f32 v26, v16  }
0xf4: {  	v13 =	vmul.f32 v30, v13;
	v44 =	vadd.f32 v27, v45;
	v34 =	vmul.f32 v34, v40  }
0xf5: {  	v30 =	vsub.f32 v45, v27;
	v33 =	vmul.f32 v33, v43;
	v45 =	vmul.f32 v48, v16  }
0xf6: {  	v48 =	vadd.f32 v13, v38;
	v37 =	vadd.f32 v28, v37;
	v28 =	vmul.f32 v44, v14  }
.Ltmp0:
0xf7: {  	v27 =	vsub.f32 v39, v42;
	v42 =	vsub.f32 v38, v13;
	v49 =	vmul.f32 v44, v22;
	(pc) =	sbr.rel @p0 .LBB2_2-.Ltmp0, $4  }
0xf8: {  	v50 =	vmul.f32 v30, v21;
	v38 =	vmul.f32 v44, v23;
	v13 =	vadd.f32 v28, v45  }
0xf9: {  	v42 =	vmul.f32 v42, v40;
	v40 =	vmul.f32 v27, v10;
	v39 =	vadd.f32 v33, v41  }
0xfa: {  	v35 =	vmul.f32 v35, v23;
	v44 =	vadd.f32 v46, v50;
	v41 =	vmul.f32 v48, v43  }
0xfb: {  	v33 =	vmul.f32 v27, v7;
	v43 =	vadd.f32 v49, v47;
	v28 =	vmul.f32 v30, v16  }
0xfc: {  	v32 =	vadd.f32 v32, v42;
	v36 =	vadd.f32 v44, v36  }
0xfd: {  	v46 =	vor.u32 $0x2, v1;
	v29 =	vadd.f32 v41, v29;
	v20 =	vadd.f32 v37, v20  }
0xfe: {  	v47 =	vor.u32 $0x1, v1;
	v34 =	vadd.f32 v39, v34;
	v31 =	vadd.f32 v38, v31  }
0xff: {  	v26 =	vmul.f32 v26, v18;
	v30 =	vmul.f32 v30, v18;
	v52 =	vor.u32 $0x3, v1  }
0x100: {  	v22 =	vmul.f32 v32, v22;
	v24 =	vadd.f32 v29, v24;
	v21 =	vmul.f32 v34, v21  }
0x101: {  	v2 =	vld.idx.msk [tilespmem:v2+s22+$0x0], $0xffff;
	v53 =	vadd.s32 $0x4, v1;
	v56 =	vmul.f32 v27, v6;
	v57 =	vadd.f32 v19, v17  }
0x102: {  	v40 =	vadd.f32 v43, v40;
	v10 =	vmul.f32 v24, v10;
	v21 =	vadd.f32 v22, v21  }
0x103: {  	v5 =	vld.idx.msk [tilespmem:v5+s22+$0x0], $0xffff;
	v23 =	vmul.f32 v32, v23;
	v50 =	vadd.f32 v25, v26;
	v54 =	vmul.f32 v34, v18  }
0x104: {  	v4 =	vld.idx.msk [tilespmem:v4+s22+$0x0], $0xffff;
	v14 =	vmul.f32 v32, v14;
	v51 =	vadd.f32 v35, v30;
	v10 =	vadd.f32 v21, v10  }
0x105: {  	v55 =	vadd.s32 $0x5, v1;
	v31 =	vadd.f32 v31, v33;
	[tilespmem:v1+s29+$0x0] =	vst.idx.msk $0xffff, v40;
	v18 =	vadd.f32 v23, v54  }
0x106: {  	v49 =	vadd.s32 $0x6, v1;
	v7 =	vmul.f32 v24, v7;
	[tilespmem:v47+s29+$0x0] =	vst.idx.msk $0xffff, v36;
	v2 =	vadd.f32 v10, v2  }
0x107: {  	v48 =	vadd.s32 $0x7, v1;
	v16 =	vmul.f32 v34, v16;
	v11 =	vadd.f32 v50, v11;
	[tilespmem:v46+s29+$0x0] =	vst.idx.msk $0xffff, v20  }
0x108: {  	v15 =	vadd.f32 v51, v15;
	v7 =	vadd.f32 v18, v7;
	[tilespmem:v52+s29+$0x0] =	vst.idx.msk $0xffff, v2;
	v2 =	vadd.s32 $0x8, v3  }
0x109: {  	v59 =	vadd.s32 $0x9, v1;
	v58 =	vmul.f32 v24, v6;
	v14 =	vadd.f32 v14, v16;
	[tilespmem:v53+s29+$0x0] =	vst.idx.msk $0xffff, v31  }
0x10a: {  	v60 =	vadd.s32 $0xA, v1;
	v4 =	vadd.f32 v7, v4;
	v3 =	vadd.f32 v12, v28;
	[tilespmem:v55+s29+$0x0] =	vst.idx.msk $0xffff, v15  }
0x10b: {  	v61 =	vmul.f32 v8, v6;
	v13 =	vadd.f32 v13, v56;
	v1 =	vadd.s32 $0xB, v1;
	[tilespmem:v49+s29+$0x0] =	vst.idx.msk $0xffff, v11  }
0x10c: {  	v62 =	vadd.f32 v14, v58;
	v3 =	vadd.f32 v3, v9;
	[tilespmem:v48+s29+$0x0] =	vst.idx.msk $0xffff, v4  }
0x10d: {  	v63 =	vadd.f32 v57, v61;
	[tilespmem:v2+s29+$0x0] =	vst.idx.msk $0xffff, v13  }
0x10e: {  	s30 =	sadd.s32 $0x1, s30;
	v2 =	vadd.f32 v62, v5;
	[tilespmem:v59+s29+$0x0] =	vst.idx.msk $0xffff, v3  }
0x10f: {  	p0 =	sne.s32 s30, s8;
	[tilespmem:v60+s29+$0x0] =	vst.idx.msk $0xffff, v63  }
.Ltmp1:
0x110: {  	[tilespmem:v1+s29+$0x0] =	vst.idx.msk $0xffff, v2;
	(pc) =	sbr.rel @p0 .LBB2_1-.Ltmp1, $4  }
0x111: {  	[hbm4b:s7+s3] =	stream.linear.scatter [tilespmem:s29], [sflag:$0x4], $0x1800, $0x38;
	[tilespmem:$0x4C00] =	vst v63  }
0x112: {  	_ =	swait.ge [sflag:s9], $0x1800  }
0x113: {  	[sflag:s9] =	ssyncset.done $0x0  }
0x114: {  	[sflag:s9] =	ssyncadd.s32 $0xFFFFE800  }
0x115: {  	_ =	sfence.sel $0x180000  }
0x116: {  	[bflag:$0x0] =	sbarrier.arrive $0xFFFF  }
0x117: {  	_ =	strace $0x90000047  }
0x118: {  	[bflag:$0x2] =	sbarrier.arrive $0xFFFF  }
0x119: {  	p0 =	sne.s32 s2, $0x0;
	s0 =	rddreg [dreg:$0x4]  }
0x11a: {  	s0 =	sadd.s32 @!p0 $0x100000, s0  }
0x11b: {  	[sflag:s0] =	ssyncadd.tile.s32 @!p0 $0x1;
	_ =	shalt  }
.Lfunc_end2:
_tile_overlayer_lowered:
.L_overlay_start_2:
0x11c: {  	(tag) =	ssettag $0x2  }
0x11d: {  	s0 =	rddreg [dreg:$0x0];
	s2 =	stileid.u32  }
0x11e: {  	s1 =	rddreg [dreg:$0x1];
	p0 =	sne.s32 s2, $0x0  }
0x11f: {  	s3 =	rddreg [dreg:$0x2];
	[bflag:$0x3] =	sbarrier.arrive $0xFFFF;
	s2 =	simm.s32 @!p0 $0x1C04  }
0x120: {  	[timem:s3], [sflag:s2] =	dma.local @!p0 [hbm:s0], s1  }
0x121: {  	s0 =	simm.s32 @!p0 $0x4  }
0x122: {  	_ =	swait.ge @!p0 [sflag:s0], s1  }
0x123: {  	s1 =	ssub.s32 @!p0 $0x0, s1;
	[sflag:s0] =	ssyncset.done @!p0 $0x0  }
0x124: {  	[sflag:s0] =	ssyncadd.s32 @!p0 s1  }
0x125: {  	[bflag:$0x3] =	sbarrier.arrive $0xFFFF  }
0x126: {  	_ =	shalt  }

</sc_bundles>
